<compile_context>
chip_gen: v7x
topology: tpu7x:2x2x1
jax: 0.10.2.dev20260603
libtpu: 0.0.44.dev20260713+nightly
codegen_flags: <defaults>
</compile_context>

<pallas_src>
import functools

import jax
import jax.numpy as jnp
from jax import lax
from jax.experimental import pallas as pl
from jax.experimental.pallas import tpu as pltpu
from jax.experimental.pallas import tpu_sc as plsc

_NC = 2
_NS = 16
_NW = _NC * _NS
_CHUNK = 1000


def _sc_gather(row, col, user_emb, item_emb, base0, Es):
    D = user_emb.shape[1]
    per_w = Es // _NW
    iters = per_w // _CHUNK
    mesh = plsc.VectorSubcoreMesh(
        core_axis_name="c", subcore_axis_name="s",
        num_cores=_NC, num_subcores=_NS)

    assert iters % 2 == 1 and iters >= 5

    @functools.partial(
        pl.kernel,
        out_type=(jax.ShapeDtypeStruct((Es, D), jnp.float32),
                  jax.ShapeDtypeStruct((Es, D), jnp.float32)),
        mesh=mesh,
        scratch_types=[
            pltpu.VMEM((per_w,), jnp.int32),
            pltpu.VMEM((per_w,), jnp.int32),
            pltpu.VMEM((2, _CHUNK, D), jnp.float32),
            pltpu.VMEM((2, _CHUNK, D), jnp.float32),
            pltpu.SemaphoreType.DMA,
            [pltpu.SemaphoreType.DMA] * 2,
            [pltpu.SemaphoreType.DMA] * 2,
        ],
        compiler_params=pltpu.CompilerParams(use_tc_tiling_on_sc=False),
    )
    def k(row_hbm, col_hbm, uemb_hbm, iemb_hbm, ue_out, ie_out,
          ridx_v, cidx_v, ue_v, ie_v, sem_idx, sem_g, sem_w):
        wid = lax.axis_index("s") * _NC + lax.axis_index("c")
        wbase = pl.multiple_of(wid * per_w, 8)

        cp_r = pltpu.async_copy(
            row_hbm.at[pl.ds(base0 + wbase, per_w)], ridx_v, sem_idx)
        cp_c = pltpu.async_copy(
            col_hbm.at[pl.ds(base0 + wbase, per_w)], cidx_v, sem_idx)
        cp_r.wait()
        cp_c.wait()

        def start_gather(i, b):
            off = pl.multiple_of(i * _CHUNK, 8)
            pltpu.async_copy(
                uemb_hbm.at[ridx_v.at[pl.ds(off, _CHUNK)]], ue_v.at[b],
                sem_g[b])
            pltpu.async_copy(
                iemb_hbm.at[cidx_v.at[pl.ds(off, _CHUNK)]], ie_v.at[b],
                sem_g[b])

        def wait_gather(i, b):
            off = pl.multiple_of(i * _CHUNK, 8)
            pltpu.make_async_copy(
                uemb_hbm.at[ridx_v.at[pl.ds(off, _CHUNK)]], ue_v.at[b],
                sem_g[b]).wait()
            pltpu.make_async_copy(
                iemb_hbm.at[cidx_v.at[pl.ds(off, _CHUNK)]], ie_v.at[b],
                sem_g[b]).wait()

        def start_wb(i, b):
            base = pl.multiple_of(wbase + i * _CHUNK, 8)
            pltpu.async_copy(
                ue_v.at[b], ue_out.at[pl.ds(base, _CHUNK)], sem_w[b])
            pltpu.async_copy(
                ie_v.at[b], ie_out.at[pl.ds(base, _CHUNK)], sem_w[b])

        def wait_wb(i, b):
            base = pl.multiple_of(wbase + i * _CHUNK, 8)
            pltpu.make_async_copy(
                ue_v.at[b], ue_out.at[pl.ds(base, _CHUNK)], sem_w[b]).wait()
            pltpu.make_async_copy(
                ie_v.at[b], ie_out.at[pl.ds(base, _CHUNK)], sem_w[b]).wait()

        start_gather(0, 0)
        start_gather(1, 1)

        @pl.loop(0, iters - 3, step=2)
        def _pipe(g):
            wait_gather(g, 0)
            start_wb(g, 0)
            wait_wb(g, 0)
            start_gather(g + 2, 0)
            wait_gather(g + 1, 1)
            start_wb(g + 1, 1)
            wait_wb(g + 1, 1)
            start_gather(g + 3, 1)

        m = iters - 3
        wait_gather(m, 0)
        start_wb(m, 0)
        wait_wb(m, 0)
        start_gather(m + 2, 0)
        wait_gather(m + 1, 1)
        start_wb(m + 1, 1)
        wait_gather(m + 2, 0)
        start_wb(m + 2, 0)
        wait_wb(m + 1, 1)
        wait_wb(m + 2, 0)

    return k(row, col, user_emb, item_emb)


def _tc_mlp(ue8, ie8, w1k, b1t, w2t, b2):
    R = ue8.shape[0]
    BLKR = 4000
    assert R % BLKR == 0
    grid = R // BLKR

    def body(ue_ref, ie_ref, w1_ref, b1_ref, w2_ref, b2_ref, out_ref):
        x = jnp.concatenate(
            [ue_ref[...], ie_ref[...]], axis=1).astype(jnp.bfloat16)
        h = jnp.dot(x, w1_ref[...], preferred_element_type=jnp.float32)
        h = jnp.maximum(h + b1_ref[...], 0.0)
        s = jnp.dot(h.astype(jnp.bfloat16), w2_ref[...],
                    preferred_element_type=jnp.float32) + b2_ref[0, 0]
        out_ref[...] = 1.0 / (1.0 + jnp.exp(-s))

    return pl.pallas_call(
        body,
        grid=(grid,),
        in_specs=[
            pl.BlockSpec((BLKR, 128), lambda i: (i, 0)),
            pl.BlockSpec((BLKR, 128), lambda i: (i, 0)),
            pl.BlockSpec((256, 512), lambda i: (0, 0)),
            pl.BlockSpec((1, 512), lambda i: (0, 0)),
            pl.BlockSpec((512, 8), lambda i: (0, 0)),
            pl.BlockSpec((1, 1), lambda i: (0, 0)),
        ],
        out_specs=pl.BlockSpec((BLKR, 8), lambda i: (i, 0)),
        out_shape=jax.ShapeDtypeStruct((R, 8), jnp.float32),
    )(ue8, ie8, w1k, b1t, w2t, b2)


def kernel(edge_index, edge_weight, user_emb, item_emb,
           W1, b1, W2, b2, W3, b3, g1, be1, g2, be2,
           fcW1, fcb1, fcW2, fcb2):
    E = edge_index.shape[1]
    row = edge_index[0]
    col = edge_index[1]

    eye8 = jnp.eye(8, dtype=jnp.float32)
    w1k = jnp.concatenate(
        [jnp.kron(eye8, fcW1[:16, :]), jnp.kron(eye8, fcW1[16:, :])],
        axis=0).astype(jnp.bfloat16)
    b1t = jnp.tile(fcb1, 8)[None, :]
    w2t = jnp.kron(eye8, fcW2).astype(jnp.bfloat16)
    b2r = fcb2.reshape(1, 1)

    S = 1
    Es = E // S
    preds = []
    for s in range(S):
        ue, ie = _sc_gather(row, col, user_emb, item_emb, s * Es, Es)
        return ue[:, :1]
        preds.append(
            _tc_mlp(ue.reshape(Es // 8, 128), ie.reshape(Es // 8, 128),
                    w1k, b1t, w2t, b2r))
    pred8 = jnp.concatenate(preds, axis=0) if S > 1 else preds[0]
    return pred8.reshape(E, 1)

# --- scband reference (transcript-rebuilt; emitter-appended) ---
"""Pipeline reference for scband-gcn-27462020891318 (READ-ONLY COPY).

The authoritative reference and input builder live on the scoring server;
editing this copy changes nothing except your own understanding.
"""

import jax, jax.numpy as jnp
import numpy as np

NUM_USERS = 25000
NUM_ITEMS = 25000
EMB = 16
HID = 64
E = 800000
N = NUM_USERS + NUM_ITEMS
EPS = 1e-5


def _lin(k, fan_in, fan_out):
    bound = 1.0 / np.sqrt(fan_in)
    k1, k2 = jax.random.split(k)
    W = jax.random.uniform(k1, (fan_in, fan_out), dtype=jnp.float32, minval=-bound, maxval=bound)
    b = jax.random.uniform(k2, (fan_out,), dtype=jnp.float32, minval=-bound, maxval=bound)
    return W, b


def setup_inputs(seed: int = 0) -> dict:
    key = jax.random.key(seed)
    ks = jax.random.split(key, 12)
    edge_index = jax.random.randint(ks[0], (2, E), 0, NUM_USERS, dtype=jnp.int32)
    edge_weight = jax.random.uniform(ks[1], (E,), dtype=jnp.float32)
    user_emb = jax.random.uniform(ks[2], (NUM_USERS, EMB), dtype=jnp.float32, minval=-0.01, maxval=0.01)
    item_emb = jax.random.uniform(ks[3], (NUM_ITEMS, EMB), dtype=jnp.float32, minval=-0.01, maxval=0.01)
    W1, b1 = _lin(ks[4], EMB, HID)
    W2, b2 = _lin(ks[5], HID, HID)
    W3, b3 = _lin(ks[6], HID, HID)
    g1 = jnp.ones((HID,), jnp.float32)
    be1 = jnp.zeros((HID,), jnp.float32)
    g2 = jnp.ones((HID,), jnp.float32)
    be2 = jnp.zeros((HID,), jnp.float32)
    fcW1, fcb1 = _lin(ks[7], 2 * EMB, HID)
    fcW2, fcb2 = _lin(ks[8], HID, 1)
    return dict(edge_index=edge_index, edge_weight=edge_weight,
                user_emb=user_emb, item_emb=item_emb,
                W1=W1, b1=b1, W2=W2, b2=b2, W3=W3, b3=b3,
                g1=g1, be1=be1, g2=g2, be2=be2,
                fcW1=fcW1, fcb1=fcb1, fcW2=fcW2, fcb2=fcb2)


def _gcn_conv(x, row, col, edge_weight, W, b):
    n = x.shape[0]
    loop = jnp.arange(n, dtype=row.dtype)
    row_f = jnp.concatenate([row, loop])
    col_f = jnp.concatenate([col, loop])
    ew = jnp.concatenate([edge_weight, jnp.ones((n,), dtype=x.dtype)])
    deg = jnp.zeros((n,), dtype=x.dtype).at[col_f].add(ew)
    dinv = jnp.where(deg > 0, 1.0 / jnp.sqrt(deg), 0.0)
    norm = dinv[row_f] * ew * dinv[col_f]
    h = x @ W
    msg = h[row_f] * norm[:, None]
    out = jnp.zeros((n, h.shape[1]), dtype=x.dtype).at[col_f].add(msg)
    return out + b


def _bn_eval(x, g, b):
    # BatchNorm1d in eval mode with fresh running stats (mean=0, var=1)
    return g * (x / jnp.sqrt(1.0 + EPS)) + b


def reference(edge_index, edge_weight, user_emb, item_emb,
              W1, b1, W2, b2, W3, b3, g1, be1, g2, be2,
              fcW1, fcb1, fcW2, fcb2):
    row = edge_index[0]
    col = edge_index[1]
    x = jnp.concatenate([user_emb, item_emb], axis=0)
    x = _gcn_conv(x, row, col, edge_weight, W1, b1)
    x = _bn_eval(x, g1, be1)
    x = jax.nn.relu(x)
    # dropout is identity in eval mode
    x = _gcn_conv(x, row, col, edge_weight, W2, b2)
    x = _bn_eval(x, g2, be2)
    x = jax.nn.relu(x)
    x = _gcn_conv(x, row, col, edge_weight, W3, b3)
    x = jax.nn.relu(x)
    # edge prediction head (uses raw embeddings, as in the original module)
    user_ids = row
    item_ids = col - NUM_USERS  # may be negative; wraps like numpy, matching torch
    ue = user_emb[user_ids]
    ie = item_emb[item_ids]
    e = jnp.concatenate([ue, ie], axis=1)
    h = jax.nn.relu(e @ fcW1 + fcb1)
    pred = jax.nn.sigmoid(h @ fcW2 + fcb2)
    return pred

if __name__ == "__main__":
    import jax
    _d = setup_inputs()
    print(jax.jit(kernel)(*tuple(_d.values())))

</pallas_src>

<mosaic_0001>
#map = affine_map<(d0, d1) -> (0)>
#map1 = affine_map<(d0, d1) -> (0, 0)>
module attributes {stable_mosaic.version = 14 : i64} {
  func.func @k(%arg0: i32, %arg1: i32, %arg2: memref<800000xi32, #tpu.memory_space<hbm>>, %arg3: memref<800000xi32, #tpu.memory_space<hbm>>, %arg4: memref<25000x16xf32, #tpu.memory_space<hbm>>, %arg5: memref<25000x16xf32, #tpu.memory_space<hbm>>, %arg6: memref<800000x16xf32, #tpu.memory_space<hbm>>, %arg7: memref<800000x16xf32, #tpu.memory_space<hbm>>, %arg8: memref<25000xi32, #tpu.memory_space<vmem>>, %arg9: memref<25000xi32, #tpu.memory_space<vmem>>, %arg10: memref<2x1000x16xf32, #tpu.memory_space<vmem>>, %arg11: memref<2x1000x16xf32, #tpu.memory_space<vmem>>, %arg12: memref<!tpu.dma_semaphore, #tpu.memory_space<semaphore_mem>>, %arg13: memref<!tpu.dma_semaphore, #tpu.memory_space<semaphore_mem>>, %arg14: memref<!tpu.dma_semaphore, #tpu.memory_space<semaphore_mem>>, %arg15: memref<!tpu.dma_semaphore, #tpu.memory_space<semaphore_mem>>, %arg16: memref<!tpu.dma_semaphore, #tpu.memory_space<semaphore_mem>>) attributes {dimension_semantics = [#tpu.dimension_semantics<core_parallel>, #tpu.dimension_semantics<subcore_parallel>], iteration_bounds = array<i64: 2, 16>, scalar_prefetch = 0 : i64, scratch_operands = 9 : i64, tpu.core_type = #tpu.core_type<sc_vector_subcore>, window_params = [{transform_indices = #map}, {transform_indices = #map}, {transform_indices = #map1}, {transform_indices = #map1}, {transform_indices = #map1}, {transform_indices = #map1}]} {
    %mul3A = arith.constant 2 : i32
    %mul3A_0 = arith.muli %arg1, %mul3A : i32
    %add3A = arith.addi %mul3A_0, %arg0 : i32
    %mul3A_1 = arith.constant 25000 : i32
    %mul3A_2 = arith.muli %add3A, %mul3A_1 : i32
    %multiple_of3A = tpu.assume_multiple %mul3A_2, 8 : i32
    %add3A_3 = arith.constant 0 : i32
    %add3A_4 = arith.addi %add3A_3, %multiple_of3A : i32
    %dma_start3A = tpu.memref_slice %arg2[%add3A_4] : memref<800000xi32, #tpu.memory_space<hbm>> -> memref<25000xi32, #tpu.memory_space<hbm>>
    %dma_start3A_5 = tpu.memref_slice %arg2[%add3A_4] : memref<800000xi32, #tpu.memory_space<hbm>> -> memref<25000xi32, #tpu.memory_space<hbm>>
    tpu.enqueue_dma source(%dma_start3A_5 : memref<25000xi32, #tpu.memory_space<hbm>>) target(%arg8 : memref<25000xi32, #tpu.memory_space<vmem>>) target_semaphore(%arg12 : memref<!tpu.dma_semaphore, #tpu.memory_space<semaphore_mem>>)
    %add3A_6 = arith.constant 0 : i32
    %add3A_7 = arith.addi %add3A_6, %multiple_of3A : i32
    %dma_start3A_8 = tpu.memref_slice %arg3[%add3A_7] : memref<800000xi32, #tpu.memory_space<hbm>> -> memref<25000xi32, #tpu.memory_space<hbm>>
    %dma_start3A_9 = tpu.memref_slice %arg3[%add3A_7] : memref<800000xi32, #tpu.memory_space<hbm>> -> memref<25000xi32, #tpu.memory_space<hbm>>
    tpu.enqueue_dma source(%dma_start3A_9 : memref<25000xi32, #tpu.memory_space<hbm>>) target(%arg9 : memref<25000xi32, #tpu.memory_space<vmem>>) target_semaphore(%arg12 : memref<!tpu.dma_semaphore, #tpu.memory_space<semaphore_mem>>)
    %dma_wait3A = tpu.memref_slice %arg2[%add3A_4] : memref<800000xi32, #tpu.memory_space<hbm>> -> memref<25000xi32, #tpu.memory_space<hbm>>
    %dma_wait3A_10 = tpu.memref_slice %arg2[%add3A_4] : memref<800000xi32, #tpu.memory_space<hbm>> -> memref<25000xi32, #tpu.memory_space<hbm>>
    tpu.wait_dma2 semaphore(%arg12 : memref<!tpu.dma_semaphore, #tpu.memory_space<semaphore_mem>>) src(%dma_wait3A_10 : memref<25000xi32, #tpu.memory_space<hbm>>) dst(%arg8 : memref<25000xi32, #tpu.memory_space<vmem>>)
    %dma_wait3A_11 = tpu.memref_slice %arg3[%add3A_7] : memref<800000xi32, #tpu.memory_space<hbm>> -> memref<25000xi32, #tpu.memory_space<hbm>>
    %dma_wait3A_12 = tpu.memref_slice %arg3[%add3A_7] : memref<800000xi32, #tpu.memory_space<hbm>> -> memref<25000xi32, #tpu.memory_space<hbm>>
    tpu.wait_dma2 semaphore(%arg12 : memref<!tpu.dma_semaphore, #tpu.memory_space<semaphore_mem>>) src(%dma_wait3A_12 : memref<25000xi32, #tpu.memory_space<hbm>>) dst(%arg9 : memref<25000xi32, #tpu.memory_space<vmem>>)
    %multiple_of3A_13 = arith.constant 0 : i32
    %multiple_of3A_14 = tpu.assume_multiple %multiple_of3A_13, 8 : i32
    %dma_start3A_15 = arith.constant 0 : i32
    %dma_start3A_16 = arith.constant 0 : i32
    %dma_start3A_17 = arith.constant 0 : i32
    %dma_start3A_18 = tpu.memref_slice %arg10[%dma_start3A_15, %dma_start3A_16, %dma_start3A_17] : memref<2x1000x16xf32, #tpu.memory_space<vmem>> -> memref<1x1000x16xf32, #tpu.memory_space<vmem>>
    %dma_start3A_19 = tpu.memref_squeeze %dma_start3A_18 : memref<1x1000x16xf32, #tpu.memory_space<vmem>> -> memref<1000x16xf32, #tpu.memory_space<vmem>>
    %dma_start3A_20 = tpu.memref_slice %arg8[%multiple_of3A_14] : memref<25000xi32, #tpu.memory_space<vmem>> -> memref<1000xi32, #tpu.memory_space<vmem>>
    %dma_start3A_21 = arith.constant 0 : i32
    %dma_start3A_22 = arith.constant 0 : i32
    %dma_start3A_23 = tpu.memref_slice %arg4[%dma_start3A_21, %dma_start3A_22] : memref<25000x16xf32, #tpu.memory_space<hbm>> -> memref<25000x16xf32, #tpu.memory_space<hbm>>
    tpu.enqueue_indirect_dma source(%dma_start3A_23 : memref<25000x16xf32, #tpu.memory_space<hbm>>) target(%dma_start3A_19 : memref<1000x16xf32, #tpu.memory_space<vmem>>) offsets(%dma_start3A_20 : memref<1000xi32, #tpu.memory_space<vmem>>) semaphore(%arg13 : memref<!tpu.dma_semaphore, #tpu.memory_space<semaphore_mem>>)
    %dma_start3A_24 = arith.constant 0 : i32
    %dma_start3A_25 = arith.constant 0 : i32
    %dma_start3A_26 = arith.constant 0 : i32
    %dma_start3A_27 = tpu.memref_slice %arg11[%dma_start3A_24, %dma_start3A_25, %dma_start3A_26] : memref<2x1000x16xf32, #tpu.memory_space<vmem>> -> memref<1x1000x16xf32, #tpu.memory_space<vmem>>
    %dma_start3A_28 = tpu.memref_squeeze %dma_start3A_27 : memref<1x1000x16xf32, #tpu.memory_space<vmem>> -> memref<1000x16xf32, #tpu.memory_space<vmem>>
    %dma_start3A_29 = tpu.memref_slice %arg9[%multiple_of3A_14] : memref<25000xi32, #tpu.memory_space<vmem>> -> memref<1000xi32, #tpu.memory_space<vmem>>
    %dma_start3A_30 = arith.constant 0 : i32
    %dma_start3A_31 = arith.constant 0 : i32
    %dma_start3A_32 = tpu.memref_slice %arg5[%dma_start3A_30, %dma_start3A_31] : memref<25000x16xf32, #tpu.memory_space<hbm>> -> memref<25000x16xf32, #tpu.memory_space<hbm>>
    tpu.enqueue_indirect_dma source(%dma_start3A_32 : memref<25000x16xf32, #tpu.memory_space<hbm>>) target(%dma_start3A_28 : memref<1000x16xf32, #tpu.memory_space<vmem>>) offsets(%dma_start3A_29 : memref<1000xi32, #tpu.memory_space<vmem>>) semaphore(%arg13 : memref<!tpu.dma_semaphore, #tpu.memory_space<semaphore_mem>>)
    %multiple_of3A_33 = arith.constant 1000 : i32
    %multiple_of3A_34 = tpu.assume_multiple %multiple_of3A_33, 8 : i32
    %dma_start3A_35 = arith.constant 1 : i32
    %dma_start3A_36 = arith.constant 0 : i32
    %dma_start3A_37 = arith.constant 0 : i32
    %dma_start3A_38 = tpu.memref_slice %arg10[%dma_start3A_35, %dma_start3A_36, %dma_start3A_37] : memref<2x1000x16xf32, #tpu.memory_space<vmem>> -> memref<1x1000x16xf32, #tpu.memory_space<vmem>>
    %dma_start3A_39 = tpu.memref_squeeze %dma_start3A_38 : memref<1x1000x16xf32, #tpu.memory_space<vmem>> -> memref<1000x16xf32, #tpu.memory_space<vmem>>
    %dma_start3A_40 = tpu.memref_slice %arg8[%multiple_of3A_34] : memref<25000xi32, #tpu.memory_space<vmem>> -> memref<1000xi32, #tpu.memory_space<vmem>>
    %dma_start3A_41 = arith.constant 0 : i32
    %dma_start3A_42 = arith.constant 0 : i32
    %dma_start3A_43 = tpu.memref_slice %arg4[%dma_start3A_41, %dma_start3A_42] : memref<25000x16xf32, #tpu.memory_space<hbm>> -> memref<25000x16xf32, #tpu.memory_space<hbm>>
    tpu.enqueue_indirect_dma source(%dma_start3A_43 : memref<25000x16xf32, #tpu.memory_space<hbm>>) target(%dma_start3A_39 : memref<1000x16xf32, #tpu.memory_space<vmem>>) offsets(%dma_start3A_40 : memref<1000xi32, #tpu.memory_space<vmem>>) semaphore(%arg14 : memref<!tpu.dma_semaphore, #tpu.memory_space<semaphore_mem>>)
    %dma_start3A_44 = arith.constant 1 : i32
    %dma_start3A_45 = arith.constant 0 : i32
    %dma_start3A_46 = arith.constant 0 : i32
    %dma_start3A_47 = tpu.memref_slice %arg11[%dma_start3A_44, %dma_start3A_45, %dma_start3A_46] : memref<2x1000x16xf32, #tpu.memory_space<vmem>> -> memref<1x1000x16xf32, #tpu.memory_space<vmem>>
    %dma_start3A_48 = tpu.memref_squeeze %dma_start3A_47 : memref<1x1000x16xf32, #tpu.memory_space<vmem>> -> memref<1000x16xf32, #tpu.memory_space<vmem>>
    %dma_start3A_49 = tpu.memref_slice %arg9[%multiple_of3A_34] : memref<25000xi32, #tpu.memory_space<vmem>> -> memref<1000xi32, #tpu.memory_space<vmem>>
    %dma_start3A_50 = arith.constant 0 : i32
    %dma_start3A_51 = arith.constant 0 : i32
    %dma_start3A_52 = tpu.memref_slice %arg5[%dma_start3A_50, %dma_start3A_51] : memref<25000x16xf32, #tpu.memory_space<hbm>> -> memref<25000x16xf32, #tpu.memory_space<hbm>>
    tpu.enqueue_indirect_dma source(%dma_start3A_52 : memref<25000x16xf32, #tpu.memory_space<hbm>>) target(%dma_start3A_48 : memref<1000x16xf32, #tpu.memory_space<vmem>>) offsets(%dma_start3A_49 : memref<1000xi32, #tpu.memory_space<vmem>>) semaphore(%arg14 : memref<!tpu.dma_semaphore, #tpu.memory_space<semaphore_mem>>)
    %scan3A = arith.constant 0 : i32
    %scan3A_53 = arith.constant 11 : i32
    %scan3A_54 = arith.addi %scan3A, %scan3A_53 : i32
    %scan3A_55 = arith.constant 1 : i32
    scf.for %scan3A_311 = %scan3A to %scan3A_54 step %scan3A_55  : i32 {
      %mul3A_312 = arith.constant 2 : i32
      %mul3A_313 = arith.muli %scan3A_311, %mul3A_312 : i32
      %add3A_314 = arith.constant 0 : i32
      %add3A_315 = arith.addi %add3A_314, %mul3A_313 : i32
      %mul3A_316 = arith.constant 1000 : i32
      %mul3A_317 = arith.muli %add3A_315, %mul3A_316 : i32
      %multiple_of3A_318 = tpu.assume_multiple %mul3A_317, 8 : i32
      %dma_wait3A_319 = arith.constant 0 : i32
      %dma_wait3A_320 = arith.constant 0 : i32
      %dma_wait3A_321 = arith.constant 0 : i32
      %dma_wait3A_322 = tpu.memref_slice %arg10[%dma_wait3A_319, %dma_wait3A_320, %dma_wait3A_321] : memref<2x1000x16xf32, #tpu.memory_space<vmem>> -> memref<1x1000x16xf32, #tpu.memory_space<vmem>>
      %dma_wait3A_323 = tpu.memref_squeeze %dma_wait3A_322 : memref<1x1000x16xf32, #tpu.memory_space<vmem>> -> memref<1000x16xf32, #tpu.memory_space<vmem>>
      %dma_wait3A_324 = tpu.memref_slice %arg8[%multiple_of3A_318] : memref<25000xi32, #tpu.memory_space<vmem>> -> memref<1000xi32, #tpu.memory_space<vmem>>
      %dma_wait3A_325 = arith.constant 0 : i32
      %dma_wait3A_326 = arith.constant 0 : i32
      %dma_wait3A_327 = tpu.memref_slice %arg4[%dma_wait3A_325, %dma_wait3A_326] : memref<25000x16xf32, #tpu.memory_space<hbm>> -> memref<25000x16xf32, #tpu.memory_space<hbm>>
      tpu.wait_indirect_dma semaphore(%arg13 : memref<!tpu.dma_semaphore, #tpu.memory_space<semaphore_mem>>) src(%dma_wait3A_327 : memref<25000x16xf32, #tpu.memory_space<hbm>>) dst(%dma_wait3A_323 : memref<1000x16xf32, #tpu.memory_space<vmem>>)
      %dma_wait3A_328 = arith.constant 0 : i32
      %dma_wait3A_329 = arith.constant 0 : i32
      %dma_wait3A_330 = arith.constant 0 : i32
      %dma_wait3A_331 = tpu.memref_slice %arg11[%dma_wait3A_328, %dma_wait3A_329, %dma_wait3A_330] : memref<2x1000x16xf32, #tpu.memory_space<vmem>> -> memref<1x1000x16xf32, #tpu.memory_space<vmem>>
      %dma_wait3A_332 = tpu.memref_squeeze %dma_wait3A_331 : memref<1x1000x16xf32, #tpu.memory_space<vmem>> -> memref<1000x16xf32, #tpu.memory_space<vmem>>
      %dma_wait3A_333 = tpu.memref_slice %arg9[%multiple_of3A_318] : memref<25000xi32, #tpu.memory_space<vmem>> -> memref<1000xi32, #tpu.memory_space<vmem>>
      %dma_wait3A_334 = arith.constant 0 : i32
      %dma_wait3A_335 = arith.constant 0 : i32
      %dma_wait3A_336 = tpu.memref_slice %arg5[%dma_wait3A_334, %dma_wait3A_335] : memref<25000x16xf32, #tpu.memory_space<hbm>> -> memref<25000x16xf32, #tpu.memory_space<hbm>>
      tpu.wait_indirect_dma semaphore(%arg13 : memref<!tpu.dma_semaphore, #tpu.memory_space<semaphore_mem>>) src(%dma_wait3A_336 : memref<25000x16xf32, #tpu.memory_space<hbm>>) dst(%dma_wait3A_332 : memref<1000x16xf32, #tpu.memory_space<vmem>>)
      %mul3A_337 = arith.constant 1000 : i32
      %mul3A_338 = arith.muli %add3A_315, %mul3A_337 : i32
      %add3A_339 = arith.addi %multiple_of3A, %mul3A_338 : i32
      %multiple_of3A_340 = tpu.assume_multiple %add3A_339, 8 : i32
      %dma_start3A_341 = arith.constant 0 : i32
      %dma_start3A_342 = arith.constant 0 : i32
      %dma_start3A_343 = arith.constant 0 : i32
      %dma_start3A_344 = tpu.memref_slice %arg10[%dma_start3A_341, %dma_start3A_342, %dma_start3A_343] : memref<2x1000x16xf32, #tpu.memory_space<vmem>> -> memref<1x1000x16xf32, #tpu.memory_space<vmem>>
      %dma_start3A_345 = tpu.memref_squeeze %dma_start3A_344 : memref<1x1000x16xf32, #tpu.memory_space<vmem>> -> memref<1000x16xf32, #tpu.memory_space<vmem>>
      %dma_start3A_346 = arith.constant 0 : i32
      %dma_start3A_347 = tpu.memref_slice %arg6[%multiple_of3A_340, %dma_start3A_346] : memref<800000x16xf32, #tpu.memory_space<hbm>> -> memref<1000x16xf32, #tpu.memory_space<hbm>>
      %dma_start3A_348 = arith.constant 0 : i32
      %dma_start3A_349 = tpu.memref_slice %arg6[%multiple_of3A_340, %dma_start3A_348] : memref<800000x16xf32, #tpu.memory_space<hbm>> -> memref<1000x16xf32, #tpu.memory_space<hbm>>
      %dma_start3A_350 = arith.constant 0 : i32
      %dma_start3A_351 = arith.constant 0 : i32
      %dma_start3A_352 = tpu.memref_slice %arg10[%dma_start3A_341, %dma_start3A_350, %dma_start3A_351] : memref<2x1000x16xf32, #tpu.memory_space<vmem>> -> memref<1x1000x16xf32, #tpu.memory_space<vmem>>
      %dma_start3A_353 = tpu.memref_squeeze %dma_start3A_352 : memref<1x1000x16xf32, #tpu.memory_space<vmem>> -> memref<1000x16xf32, #tpu.memory_space<vmem>>
      tpu.enqueue_dma source(%dma_start3A_353 : memref<1000x16xf32, #tpu.memory_space<vmem>>) target(%dma_start3A_349 : memref<1000x16xf32, #tpu.memory_space<hbm>>) target_semaphore(%arg15 : memref<!tpu.dma_semaphore, #tpu.memory_space<semaphore_mem>>)
      %dma_start3A_354 = arith.constant 0 : i32
      %dma_start3A_355 = arith.constant 0 : i32
      %dma_start3A_356 = arith.constant 0 : i32
      %dma_start3A_357 = tpu.memref_slice %arg11[%dma_start3A_354, %dma_start3A_355, %dma_start3A_356] : memref<2x1000x16xf32, #tpu.memory_space<vmem>> -> memref<1x1000x16xf32, #tpu.memory_space<vmem>>
      %dma_start3A_358 = tpu.memref_squeeze %dma_start3A_357 : memref<1x1000x16xf32, #tpu.memory_space<vmem>> -> memref<1000x16xf32, #tpu.memory_space<vmem>>
      %dma_start3A_359 = arith.constant 0 : i32
      %dma_start3A_360 = tpu.memref_slice %arg7[%multiple_of3A_340, %dma_start3A_359] : memref<800000x16xf32, #tpu.memory_space<hbm>> -> memref<1000x16xf32, #tpu.memory_space<hbm>>
      %dma_start3A_361 = arith.constant 0 : i32
      %dma_start3A_362 = tpu.memref_slice %arg7[%multiple_of3A_340, %dma_start3A_361] : memref<800000x16xf32, #tpu.memory_space<hbm>> -> memref<1000x16xf32, #tpu.memory_space<hbm>>
      %dma_start3A_363 = arith.constant 0 : i32
      %dma_start3A_364 = arith.constant 0 : i32
      %dma_start3A_365 = tpu.memref_slice %arg11[%dma_start3A_354, %dma_start3A_363, %dma_start3A_364] : memref<2x1000x16xf32, #tpu.memory_space<vmem>> -> memref<1x1000x16xf32, #tpu.memory_space<vmem>>
      %dma_start3A_366 = tpu.memref_squeeze %dma_start3A_365 : memref<1x1000x16xf32, #tpu.memory_space<vmem>> -> memref<1000x16xf32, #tpu.memory_space<vmem>>
      tpu.enqueue_dma source(%dma_start3A_366 : memref<1000x16xf32, #tpu.memory_space<vmem>>) target(%dma_start3A_362 : memref<1000x16xf32, #tpu.memory_space<hbm>>) target_semaphore(%arg15 : memref<!tpu.dma_semaphore, #tpu.memory_space<semaphore_mem>>)
      %mul3A_367 = arith.constant 1000 : i32
      %mul3A_368 = arith.muli %add3A_315, %mul3A_367 : i32
      %add3A_369 = arith.addi %multiple_of3A, %mul3A_368 : i32
      %multiple_of3A_370 = tpu.assume_multiple %add3A_369, 8 : i32
      %dma_wait3A_371 = arith.constant 0 : i32
      %dma_wait3A_372 = arith.constant 0 : i32
      %dma_wait3A_373 = arith.constant 0 : i32
      %dma_wait3A_374 = tpu.memref_slice %arg10[%dma_wait3A_371, %dma_wait3A_372, %dma_wait3A_373] : memref<2x1000x16xf32, #tpu.memory_space<vmem>> -> memref<1x1000x16xf32, #tpu.memory_space<vmem>>
      %dma_wait3A_375 = tpu.memref_squeeze %dma_wait3A_374 : memref<1x1000x16xf32, #tpu.memory_space<vmem>> -> memref<1000x16xf32, #tpu.memory_space<vmem>>
      %dma_wait3A_376 = arith.constant 0 : i32
      %dma_wait3A_377 = tpu.memref_slice %arg6[%multiple_of3A_370, %dma_wait3A_376] : memref<800000x16xf32, #tpu.memory_space<hbm>> -> memref<1000x16xf32, #tpu.memory_space<hbm>>
      %dma_wait3A_378 = arith.constant 0 : i32
      %dma_wait3A_379 = tpu.memref_slice %arg6[%multiple_of3A_370, %dma_wait3A_378] : memref<800000x16xf32, #tpu.memory_space<hbm>> -> memref<1000x16xf32, #tpu.memory_space<hbm>>
      %dma_wait3A_380 = arith.constant 0 : i32
      %dma_wait3A_381 = arith.constant 0 : i32
      %dma_wait3A_382 = tpu.memref_slice %arg10[%dma_wait3A_371, %dma_wait3A_380, %dma_wait3A_381] : memref<2x1000x16xf32, #tpu.memory_space<vmem>> -> memref<1x1000x16xf32, #tpu.memory_space<vmem>>
      %dma_wait3A_383 = tpu.memref_squeeze %dma_wait3A_382 : memref<1x1000x16xf32, #tpu.memory_space<vmem>> -> memref<1000x16xf32, #tpu.memory_space<vmem>>
      tpu.wait_dma2 semaphore(%arg15 : memref<!tpu.dma_semaphore, #tpu.memory_space<semaphore_mem>>) src(%dma_wait3A_383 : memref<1000x16xf32, #tpu.memory_space<vmem>>) dst(%dma_wait3A_379 : memref<1000x16xf32, #tpu.memory_space<hbm>>)
      %dma_wait3A_384 = arith.constant 0 : i32
      %dma_wait3A_385 = arith.constant 0 : i32
      %dma_wait3A_386 = arith.constant 0 : i32
      %dma_wait3A_387 = tpu.memref_slice %arg11[%dma_wait3A_384, %dma_wait3A_385, %dma_wait3A_386] : memref<2x1000x16xf32, #tpu.memory_space<vmem>> -> memref<1x1000x16xf32, #tpu.memory_space<vmem>>
      %dma_wait3A_388 = tpu.memref_squeeze %dma_wait3A_387 : memref<1x1000x16xf32, #tpu.memory_space<vmem>> -> memref<1000x16xf32, #tpu.memory_space<vmem>>
      %dma_wait3A_389 = arith.constant 0 : i32
      %dma_wait3A_390 = tpu.memref_slice %arg7[%multiple_of3A_370, %dma_wait3A_389] : memref<800000x16xf32, #tpu.memory_space<hbm>> -> memref<1000x16xf32, #tpu.memory_space<hbm>>
      %dma_wait3A_391 = arith.constant 0 : i32
      %dma_wait3A_392 = tpu.memref_slice %arg7[%multiple_of3A_370, %dma_wait3A_391] : memref<800000x16xf32, #tpu.memory_space<hbm>> -> memref<1000x16xf32, #tpu.memory_space<hbm>>
      %dma_wait3A_393 = arith.constant 0 : i32
      %dma_wait3A_394 = arith.constant 0 : i32
      %dma_wait3A_395 = tpu.memref_slice %arg11[%dma_wait3A_384, %dma_wait3A_393, %dma_wait3A_394] : memref<2x1000x16xf32, #tpu.memory_space<vmem>> -> memref<1x1000x16xf32, #tpu.memory_space<vmem>>
      %dma_wait3A_396 = tpu.memref_squeeze %dma_wait3A_395 : memref<1x1000x16xf32, #tpu.memory_space<vmem>> -> memref<1000x16xf32, #tpu.memory_space<vmem>>
      tpu.wait_dma2 semaphore(%arg15 : memref<!tpu.dma_semaphore, #tpu.memory_space<semaphore_mem>>) src(%dma_wait3A_396 : memref<1000x16xf32, #tpu.memory_space<vmem>>) dst(%dma_wait3A_392 : memref<1000x16xf32, #tpu.memory_space<hbm>>)
      %add3A_397 = arith.constant 2 : i32
      %add3A_398 = arith.addi %add3A_315, %add3A_397 : i32
      %mul3A_399 = arith.constant 1000 : i32
      %mul3A_400 = arith.muli %add3A_398, %mul3A_399 : i32
      %multiple_of3A_401 = tpu.assume_multiple %mul3A_400, 8 : i32
      %dma_start3A_402 = arith.constant 0 : i32
      %dma_start3A_403 = arith.constant 0 : i32
      %dma_start3A_404 = arith.constant 0 : i32
      %dma_start3A_405 = tpu.memref_slice %arg10[%dma_start3A_402, %dma_start3A_403, %dma_start3A_404] : memref<2x1000x16xf32, #tpu.memory_space<vmem>> -> memref<1x1000x16xf32, #tpu.memory_space<vmem>>
      %dma_start3A_406 = tpu.memref_squeeze %dma_start3A_405 : memref<1x1000x16xf32, #tpu.memory_space<vmem>> -> memref<1000x16xf32, #tpu.memory_space<vmem>>
      %dma_start3A_407 = tpu.memref_slice %arg8[%multiple_of3A_401] : memref<25000xi32, #tpu.memory_space<vmem>> -> memref<1000xi32, #tpu.memory_space<vmem>>
      %dma_start3A_408 = arith.constant 0 : i32
      %dma_start3A_409 = arith.constant 0 : i32
      %dma_start3A_410 = tpu.memref_slice %arg4[%dma_start3A_408, %dma_start3A_409] : memref<25000x16xf32, #tpu.memory_space<hbm>> -> memref<25000x16xf32, #tpu.memory_space<hbm>>
      tpu.enqueue_indirect_dma source(%dma_start3A_410 : memref<25000x16xf32, #tpu.memory_space<hbm>>) target(%dma_start3A_406 : memref<1000x16xf32, #tpu.memory_space<vmem>>) offsets(%dma_start3A_407 : memref<1000xi32, #tpu.memory_space<vmem>>) semaphore(%arg13 : memref<!tpu.dma_semaphore, #tpu.memory_space<semaphore_mem>>)
      %dma_start3A_411 = arith.constant 0 : i32
      %dma_start3A_412 = arith.constant 0 : i32
      %dma_start3A_413 = arith.constant 0 : i32
      %dma_start3A_414 = tpu.memref_slice %arg11[%dma_start3A_411, %dma_start3A_412, %dma_start3A_413] : memref<2x1000x16xf32, #tpu.memory_space<vmem>> -> memref<1x1000x16xf32, #tpu.memory_space<vmem>>
      %dma_start3A_415 = tpu.memref_squeeze %dma_start3A_414 : memref<1x1000x16xf32, #tpu.memory_space<vmem>> -> memref<1000x16xf32, #tpu.memory_space<vmem>>
      %dma_start3A_416 = tpu.memref_slice %arg9[%multiple_of3A_401] : memref<25000xi32, #tpu.memory_space<vmem>> -> memref<1000xi32, #tpu.memory_space<vmem>>
      %dma_start3A_417 = arith.constant 0 : i32
      %dma_start3A_418 = arith.constant 0 : i32
      %dma_start3A_419 = tpu.memref_slice %arg5[%dma_start3A_417, %dma_start3A_418] : memref<25000x16xf32, #tpu.memory_space<hbm>> -> memref<25000x16xf32, #tpu.memory_space<hbm>>
      tpu.enqueue_indirect_dma source(%dma_start3A_419 : memref<25000x16xf32, #tpu.memory_space<hbm>>) target(%dma_start3A_415 : memref<1000x16xf32, #tpu.memory_space<vmem>>) offsets(%dma_start3A_416 : memref<1000xi32, #tpu.memory_space<vmem>>) semaphore(%arg13 : memref<!tpu.dma_semaphore, #tpu.memory_space<semaphore_mem>>)
      %add3A_420 = arith.constant 1 : i32
      %add3A_421 = arith.addi %add3A_315, %add3A_420 : i32
      %mul3A_422 = arith.constant 1000 : i32
      %mul3A_423 = arith.muli %add3A_421, %mul3A_422 : i32
      %multiple_of3A_424 = tpu.assume_multiple %mul3A_423, 8 : i32
      %dma_wait3A_425 = arith.constant 1 : i32
      %dma_wait3A_426 = arith.constant 0 : i32
      %dma_wait3A_427 = arith.constant 0 : i32
      %dma_wait3A_428 = tpu.memref_slice %arg10[%dma_wait3A_425, %dma_wait3A_426, %dma_wait3A_427] : memref<2x1000x16xf32, #tpu.memory_space<vmem>> -> memref<1x1000x16xf32, #tpu.memory_space<vmem>>
      %dma_wait3A_429 = tpu.memref_squeeze %dma_wait3A_428 : memref<1x1000x16xf32, #tpu.memory_space<vmem>> -> memref<1000x16xf32, #tpu.memory_space<vmem>>
      %dma_wait3A_430 = tpu.memref_slice %arg8[%multiple_of3A_424] : memref<25000xi32, #tpu.memory_space<vmem>> -> memref<1000xi32, #tpu.memory_space<vmem>>
      %dma_wait3A_431 = arith.constant 0 : i32
      %dma_wait3A_432 = arith.constant 0 : i32
      %dma_wait3A_433 = tpu.memref_slice %arg4[%dma_wait3A_431, %dma_wait3A_432] : memref<25000x16xf32, #tpu.memory_space<hbm>> -> memref<25000x16xf32, #tpu.memory_space<hbm>>
      tpu.wait_indirect_dma semaphore(%arg14 : memref<!tpu.dma_semaphore, #tpu.memory_space<semaphore_mem>>) src(%dma_wait3A_433 : memref<25000x16xf32, #tpu.memory_space<hbm>>) dst(%dma_wait3A_429 : memref<1000x16xf32, #tpu.memory_space<vmem>>)
      %dma_wait3A_434 = arith.constant 1 : i32
      %dma_wait3A_435 = arith.constant 0 : i32
      %dma_wait3A_436 = arith.constant 0 : i32
      %dma_wait3A_437 = tpu.memref_slice %arg11[%dma_wait3A_434, %dma_wait3A_435, %dma_wait3A_436] : memref<2x1000x16xf32, #tpu.memory_space<vmem>> -> memref<1x1000x16xf32, #tpu.memory_space<vmem>>
      %dma_wait3A_438 = tpu.memref_squeeze %dma_wait3A_437 : memref<1x1000x16xf32, #tpu.memory_space<vmem>> -> memref<1000x16xf32, #tpu.memory_space<vmem>>
      %dma_wait3A_439 = tpu.memref_slice %arg9[%multiple_of3A_424] : memref<25000xi32, #tpu.memory_space<vmem>> -> memref<1000xi32, #tpu.memory_space<vmem>>
      %dma_wait3A_440 = arith.constant 0 : i32
      %dma_wait3A_441 = arith.constant 0 : i32
      %dma_wait3A_442 = tpu.memref_slice %arg5[%dma_wait3A_440, %dma_wait3A_441] : memref<25000x16xf32, #tpu.memory_space<hbm>> -> memref<25000x16xf32, #tpu.memory_space<hbm>>
      tpu.wait_indirect_dma semaphore(%arg14 : memref<!tpu.dma_semaphore, #tpu.memory_space<semaphore_mem>>) src(%dma_wait3A_442 : memref<25000x16xf32, #tpu.memory_space<hbm>>) dst(%dma_wait3A_438 : memref<1000x16xf32, #tpu.memory_space<vmem>>)
      %add3A_443 = arith.constant 1 : i32
      %add3A_444 = arith.addi %add3A_315, %add3A_443 : i32
      %mul3A_445 = arith.constant 1000 : i32
      %mul3A_446 = arith.muli %add3A_444, %mul3A_445 : i32
      %add3A_447 = arith.addi %multiple_of3A, %mul3A_446 : i32
      %multiple_of3A_448 = tpu.assume_multiple %add3A_447, 8 : i32
      %dma_start3A_449 = arith.constant 1 : i32
      %dma_start3A_450 = arith.constant 0 : i32
      %dma_start3A_451 = arith.constant 0 : i32
      %dma_start3A_452 = tpu.memref_slice %arg10[%dma_start3A_449, %dma_start3A_450, %dma_start3A_451] : memref<2x1000x16xf32, #tpu.memory_space<vmem>> -> memref<1x1000x16xf32, #tpu.memory_space<vmem>>
      %dma_start3A_453 = tpu.memref_squeeze %dma_start3A_452 : memref<1x1000x16xf32, #tpu.memory_space<vmem>> -> memref<1000x16xf32, #tpu.memory_space<vmem>>
      %dma_start3A_454 = arith.constant 0 : i32
      %dma_start3A_455 = tpu.memref_slice %arg6[%multiple_of3A_448, %dma_start3A_454] : memref<800000x16xf32, #tpu.memory_space<hbm>> -> memref<1000x16xf32, #tpu.memory_space<hbm>>
      %dma_start3A_456 = arith.constant 0 : i32
      %dma_start3A_457 = tpu.memref_slice %arg6[%multiple_of3A_448, %dma_start3A_456] : memref<800000x16xf32, #tpu.memory_space<hbm>> -> memref<1000x16xf32, #tpu.memory_space<hbm>>
      %dma_start3A_458 = arith.constant 0 : i32
      %dma_start3A_459 = arith.constant 0 : i32
      %dma_start3A_460 = tpu.memref_slice %arg10[%dma_start3A_449, %dma_start3A_458, %dma_start3A_459] : memref<2x1000x16xf32, #tpu.memory_space<vmem>> -> memref<1x1000x16xf32, #tpu.memory_space<vmem>>
      %dma_start3A_461 = tpu.memref_squeeze %dma_start3A_460 : memref<1x1000x16xf32, #tpu.memory_space<vmem>> -> memref<1000x16xf32, #tpu.memory_space<vmem>>
      tpu.enqueue_dma source(%dma_start3A_461 : memref<1000x16xf32, #tpu.memory_space<vmem>>) target(%dma_start3A_457 : memref<1000x16xf32, #tpu.memory_space<hbm>>) target_semaphore(%arg16 : memref<!tpu.dma_semaphore, #tpu.memory_space<semaphore_mem>>)
      %dma_start3A_462 = arith.constant 1 : i32
      %dma_start3A_463 = arith.constant 0 : i32
      %dma_start3A_464 = arith.constant 0 : i32
      %dma_start3A_465 = tpu.memref_slice %arg11[%dma_start3A_462, %dma_start3A_463, %dma_start3A_464] : memref<2x1000x16xf32, #tpu.memory_space<vmem>> -> memref<1x1000x16xf32, #tpu.memory_space<vmem>>
      %dma_start3A_466 = tpu.memref_squeeze %dma_start3A_465 : memref<1x1000x16xf32, #tpu.memory_space<vmem>> -> memref<1000x16xf32, #tpu.memory_space<vmem>>
      %dma_start3A_467 = arith.constant 0 : i32
      %dma_start3A_468 = tpu.memref_slice %arg7[%multiple_of3A_448, %dma_start3A_467] : memref<800000x16xf32, #tpu.memory_space<hbm>> -> memref<1000x16xf32, #tpu.memory_space<hbm>>
      %dma_start3A_469 = arith.constant 0 : i32
      %dma_start3A_470 = tpu.memref_slice %arg7[%multiple_of3A_448, %dma_start3A_469] : memref<800000x16xf32, #tpu.memory_space<hbm>> -> memref<1000x16xf32, #tpu.memory_space<hbm>>
      %dma_start3A_471 = arith.constant 0 : i32
      %dma_start3A_472 = arith.constant 0 : i32
      %dma_start3A_473 = tpu.memref_slice %arg11[%dma_start3A_462, %dma_start3A_471, %dma_start3A_472] : memref<2x1000x16xf32, #tpu.memory_space<vmem>> -> memref<1x1000x16xf32, #tpu.memory_space<vmem>>
      %dma_start3A_474 = tpu.memref_squeeze %dma_start3A_473 : memref<1x1000x16xf32, #tpu.memory_space<vmem>> -> memref<1000x16xf32, #tpu.memory_space<vmem>>
      tpu.enqueue_dma source(%dma_start3A_474 : memref<1000x16xf32, #tpu.memory_space<vmem>>) target(%dma_start3A_470 : memref<1000x16xf32, #tpu.memory_space<hbm>>) target_semaphore(%arg16 : memref<!tpu.dma_semaphore, #tpu.memory_space<semaphore_mem>>)
      %add3A_475 = arith.constant 1 : i32
      %add3A_476 = arith.addi %add3A_315, %add3A_475 : i32
      %mul3A_477 = arith.constant 1000 : i32
      %mul3A_478 = arith.muli %add3A_476, %mul3A_477 : i32
      %add3A_479 = arith.addi %multiple_of3A, %mul3A_478 : i32
      %multiple_of3A_480 = tpu.assume_multiple %add3A_479, 8 : i32
      %dma_wait3A_481 = arith.constant 1 : i32
      %dma_wait3A_482 = arith.constant 0 : i32
      %dma_wait3A_483 = arith.constant 0 : i32
      %dma_wait3A_484 = tpu.memref_slice %arg10[%dma_wait3A_481, %dma_wait3A_482, %dma_wait3A_483] : memref<2x1000x16xf32, #tpu.memory_space<vmem>> -> memref<1x1000x16xf32, #tpu.memory_space<vmem>>
      %dma_wait3A_485 = tpu.memref_squeeze %dma_wait3A_484 : memref<1x1000x16xf32, #tpu.memory_space<vmem>> -> memref<1000x16xf32, #tpu.memory_space<vmem>>
      %dma_wait3A_486 = arith.constant 0 : i32
      %dma_wait3A_487 = tpu.memref_slice %arg6[%multiple_of3A_480, %dma_wait3A_486] : memref<800000x16xf32, #tpu.memory_space<hbm>> -> memref<1000x16xf32, #tpu.memory_space<hbm>>
      %dma_wait3A_488 = arith.constant 0 : i32
      %dma_wait3A_489 = tpu.memref_slice %arg6[%multiple_of3A_480, %dma_wait3A_488] : memref<800000x16xf32, #tpu.memory_space<hbm>> -> memref<1000x16xf32, #tpu.memory_space<hbm>>
      %dma_wait3A_490 = arith.constant 0 : i32
      %dma_wait3A_491 = arith.constant 0 : i32
      %dma_wait3A_492 = tpu.memref_slice %arg10[%dma_wait3A_481, %dma_wait3A_490, %dma_wait3A_491] : memref<2x1000x16xf32, #tpu.memory_space<vmem>> -> memref<1x1000x16xf32, #tpu.memory_space<vmem>>
      %dma_wait3A_493 = tpu.memref_squeeze %dma_wait3A_492 : memref<1x1000x16xf32, #tpu.memory_space<vmem>> -> memref<1000x16xf32, #tpu.memory_space<vmem>>
      tpu.wait_dma2 semaphore(%arg16 : memref<!tpu.dma_semaphore, #tpu.memory_space<semaphore_mem>>) src(%dma_wait3A_493 : memref<1000x16xf32, #tpu.memory_space<vmem>>) dst(%dma_wait3A_489 : memref<1000x16xf32, #tpu.memory_space<hbm>>)
      %dma_wait3A_494 = arith.constant 1 : i32
      %dma_wait3A_495 = arith.constant 0 : i32
      %dma_wait3A_496 = arith.constant 0 : i32
      %dma_wait3A_497 = tpu.memref_slice %arg11[%dma_wait3A_494, %dma_wait3A_495, %dma_wait3A_496] : memref<2x1000x16xf32, #tpu.memory_space<vmem>> -> memref<1x1000x16xf32, #tpu.memory_space<vmem>>
      %dma_wait3A_498 = tpu.memref_squeeze %dma_wait3A_497 : memref<1x1000x16xf32, #tpu.memory_space<vmem>> -> memref<1000x16xf32, #tpu.memory_space<vmem>>
      %dma_wait3A_499 = arith.constant 0 : i32
      %dma_wait3A_500 = tpu.memref_slice %arg7[%multiple_of3A_480, %dma_wait3A_499] : memref<800000x16xf32, #tpu.memory_space<hbm>> -> memref<1000x16xf32, #tpu.memory_space<hbm>>
      %dma_wait3A_501 = arith.constant 0 : i32
      %dma_wait3A_502 = tpu.memref_slice %arg7[%multiple_of3A_480, %dma_wait3A_501] : memref<800000x16xf32, #tpu.memory_space<hbm>> -> memref<1000x16xf32, #tpu.memory_space<hbm>>
      %dma_wait3A_503 = arith.constant 0 : i32
      %dma_wait3A_504 = arith.constant 0 : i32
      %dma_wait3A_505 = tpu.memref_slice %arg11[%dma_wait3A_494, %dma_wait3A_503, %dma_wait3A_504] : memref<2x1000x16xf32, #tpu.memory_space<vmem>> -> memref<1x1000x16xf32, #tpu.memory_space<vmem>>
      %dma_wait3A_506 = tpu.memref_squeeze %dma_wait3A_505 : memref<1x1000x16xf32, #tpu.memory_space<vmem>> -> memref<1000x16xf32, #tpu.memory_space<vmem>>
      tpu.wait_dma2 semaphore(%arg16 : memref<!tpu.dma_semaphore, #tpu.memory_space<semaphore_mem>>) src(%dma_wait3A_506 : memref<1000x16xf32, #tpu.memory_space<vmem>>) dst(%dma_wait3A_502 : memref<1000x16xf32, #tpu.memory_space<hbm>>)
      %add3A_507 = arith.constant 3 : i32
      %add3A_508 = arith.addi %add3A_315, %add3A_507 : i32
      %mul3A_509 = arith.constant 1000 : i32
      %mul3A_510 = arith.muli %add3A_508, %mul3A_509 : i32
      %multiple_of3A_511 = tpu.assume_multiple %mul3A_510, 8 : i32
      %dma_start3A_512 = arith.constant 1 : i32
      %dma_start3A_513 = arith.constant 0 : i32
      %dma_start3A_514 = arith.constant 0 : i32
      %dma_start3A_515 = tpu.memref_slice %arg10[%dma_start3A_512, %dma_start3A_513, %dma_start3A_514] : memref<2x1000x16xf32, #tpu.memory_space<vmem>> -> memref<1x1000x16xf32, #tpu.memory_space<vmem>>
      %dma_start3A_516 = tpu.memref_squeeze %dma_start3A_515 : memref<1x1000x16xf32, #tpu.memory_space<vmem>> -> memref<1000x16xf32, #tpu.memory_space<vmem>>
      %dma_start3A_517 = tpu.memref_slice %arg8[%multiple_of3A_511] : memref<25000xi32, #tpu.memory_space<vmem>> -> memref<1000xi32, #tpu.memory_space<vmem>>
      %dma_start3A_518 = arith.constant 0 : i32
      %dma_start3A_519 = arith.constant 0 : i32
      %dma_start3A_520 = tpu.memref_slice %arg4[%dma_start3A_518, %dma_start3A_519] : memref<25000x16xf32, #tpu.memory_space<hbm>> -> memref<25000x16xf32, #tpu.memory_space<hbm>>
      tpu.enqueue_indirect_dma source(%dma_start3A_520 : memref<25000x16xf32, #tpu.memory_space<hbm>>) target(%dma_start3A_516 : memref<1000x16xf32, #tpu.memory_space<vmem>>) offsets(%dma_start3A_517 : memref<1000xi32, #tpu.memory_space<vmem>>) semaphore(%arg14 : memref<!tpu.dma_semaphore, #tpu.memory_space<semaphore_mem>>)
      %dma_start3A_521 = arith.constant 1 : i32
      %dma_start3A_522 = arith.constant 0 : i32
      %dma_start3A_523 = arith.constant 0 : i32
      %dma_start3A_524 = tpu.memref_slice %arg11[%dma_start3A_521, %dma_start3A_522, %dma_start3A_523] : memref<2x1000x16xf32, #tpu.memory_space<vmem>> -> memref<1x1000x16xf32, #tpu.memory_space<vmem>>
      %dma_start3A_525 = tpu.memref_squeeze %dma_start3A_524 : memref<1x1000x16xf32, #tpu.memory_space<vmem>> -> memref<1000x16xf32, #tpu.memory_space<vmem>>
      %dma_start3A_526 = tpu.memref_slice %arg9[%multiple_of3A_511] : memref<25000xi32, #tpu.memory_space<vmem>> -> memref<1000xi32, #tpu.memory_space<vmem>>
      %dma_start3A_527 = arith.constant 0 : i32
      %dma_start3A_528 = arith.constant 0 : i32
      %dma_start3A_529 = tpu.memref_slice %arg5[%dma_start3A_527, %dma_start3A_528] : memref<25000x16xf32, #tpu.memory_space<hbm>> -> memref<25000x16xf32, #tpu.memory_space<hbm>>
      tpu.enqueue_indirect_dma source(%dma_start3A_529 : memref<25000x16xf32, #tpu.memory_space<hbm>>) target(%dma_start3A_525 : memref<1000x16xf32, #tpu.memory_space<vmem>>) offsets(%dma_start3A_526 : memref<1000xi32, #tpu.memory_space<vmem>>) semaphore(%arg14 : memref<!tpu.dma_semaphore, #tpu.memory_space<semaphore_mem>>)
    }
    %scan3A_56 = arith.constant 11 : i32
    %multiple_of3A_57 = arith.constant 22000 : i32
    %multiple_of3A_58 = tpu.assume_multiple %multiple_of3A_57, 8 : i32
    %dma_wait3A_59 = arith.constant 0 : i32
    %dma_wait3A_60 = arith.constant 0 : i32
    %dma_wait3A_61 = arith.constant 0 : i32
    %dma_wait3A_62 = tpu.memref_slice %arg10[%dma_wait3A_59, %dma_wait3A_60, %dma_wait3A_61] : memref<2x1000x16xf32, #tpu.memory_space<vmem>> -> memref<1x1000x16xf32, #tpu.memory_space<vmem>>
    %dma_wait3A_63 = tpu.memref_squeeze %dma_wait3A_62 : memref<1x1000x16xf32, #tpu.memory_space<vmem>> -> memref<1000x16xf32, #tpu.memory_space<vmem>>
    %dma_wait3A_64 = tpu.memref_slice %arg8[%multiple_of3A_58] : memref<25000xi32, #tpu.memory_space<vmem>> -> memref<1000xi32, #tpu.memory_space<vmem>>
    %dma_wait3A_65 = arith.constant 0 : i32
    %dma_wait3A_66 = arith.constant 0 : i32
    %dma_wait3A_67 = tpu.memref_slice %arg4[%dma_wait3A_65, %dma_wait3A_66] : memref<25000x16xf32, #tpu.memory_space<hbm>> -> memref<25000x16xf32, #tpu.memory_space<hbm>>
    tpu.wait_indirect_dma semaphore(%arg13 : memref<!tpu.dma_semaphore, #tpu.memory_space<semaphore_mem>>) src(%dma_wait3A_67 : memref<25000x16xf32, #tpu.memory_space<hbm>>) dst(%dma_wait3A_63 : memref<1000x16xf32, #tpu.memory_space<vmem>>)
    %dma_wait3A_68 = arith.constant 0 : i32
    %dma_wait3A_69 = arith.constant 0 : i32
    %dma_wait3A_70 = arith.constant 0 : i32
    %dma_wait3A_71 = tpu.memref_slice %arg11[%dma_wait3A_68, %dma_wait3A_69, %dma_wait3A_70] : memref<2x1000x16xf32, #tpu.memory_space<vmem>> -> memref<1x1000x16xf32, #tpu.memory_space<vmem>>
    %dma_wait3A_72 = tpu.memref_squeeze %dma_wait3A_71 : memref<1x1000x16xf32, #tpu.memory_space<vmem>> -> memref<1000x16xf32, #tpu.memory_space<vmem>>
    %dma_wait3A_73 = tpu.memref_slice %arg9[%multiple_of3A_58] : memref<25000xi32, #tpu.memory_space<vmem>> -> memref<1000xi32, #tpu.memory_space<vmem>>
    %dma_wait3A_74 = arith.constant 0 : i32
    %dma_wait3A_75 = arith.constant 0 : i32
    %dma_wait3A_76 = tpu.memref_slice %arg5[%dma_wait3A_74, %dma_wait3A_75] : memref<25000x16xf32, #tpu.memory_space<hbm>> -> memref<25000x16xf32, #tpu.memory_space<hbm>>
    tpu.wait_indirect_dma semaphore(%arg13 : memref<!tpu.dma_semaphore, #tpu.memory_space<semaphore_mem>>) src(%dma_wait3A_76 : memref<25000x16xf32, #tpu.memory_space<hbm>>) dst(%dma_wait3A_72 : memref<1000x16xf32, #tpu.memory_space<vmem>>)
    %add3A_77 = arith.constant 22000 : i32
    %add3A_78 = arith.addi %multiple_of3A, %add3A_77 : i32
    %multiple_of3A_79 = tpu.assume_multiple %add3A_78, 8 : i32
    %dma_start3A_80 = arith.constant 0 : i32
    %dma_start3A_81 = arith.constant 0 : i32
    %dma_start3A_82 = arith.constant 0 : i32
    %dma_start3A_83 = tpu.memref_slice %arg10[%dma_start3A_80, %dma_start3A_81, %dma_start3A_82] : memref<2x1000x16xf32, #tpu.memory_space<vmem>> -> memref<1x1000x16xf32, #tpu.memory_space<vmem>>
    %dma_start3A_84 = tpu.memref_squeeze %dma_start3A_83 : memref<1x1000x16xf32, #tpu.memory_space<vmem>> -> memref<1000x16xf32, #tpu.memory_space<vmem>>
    %dma_start3A_85 = arith.constant 0 : i32
    %dma_start3A_86 = tpu.memref_slice %arg6[%multiple_of3A_79, %dma_start3A_85] : memref<800000x16xf32, #tpu.memory_space<hbm>> -> memref<1000x16xf32, #tpu.memory_space<hbm>>
    %dma_start3A_87 = arith.constant 0 : i32
    %dma_start3A_88 = tpu.memref_slice %arg6[%multiple_of3A_79, %dma_start3A_87] : memref<800000x16xf32, #tpu.memory_space<hbm>> -> memref<1000x16xf32, #tpu.memory_space<hbm>>
    %dma_start3A_89 = arith.constant 0 : i32
    %dma_start3A_90 = arith.constant 0 : i32
    %dma_start3A_91 = tpu.memref_slice %arg10[%dma_start3A_80, %dma_start3A_89, %dma_start3A_90] : memref<2x1000x16xf32, #tpu.memory_space<vmem>> -> memref<1x1000x16xf32, #tpu.memory_space<vmem>>
    %dma_start3A_92 = tpu.memref_squeeze %dma_start3A_91 : memref<1x1000x16xf32, #tpu.memory_space<vmem>> -> memref<1000x16xf32, #tpu.memory_space<vmem>>
    tpu.enqueue_dma source(%dma_start3A_92 : memref<1000x16xf32, #tpu.memory_space<vmem>>) target(%dma_start3A_88 : memref<1000x16xf32, #tpu.memory_space<hbm>>) target_semaphore(%arg15 : memref<!tpu.dma_semaphore, #tpu.memory_space<semaphore_mem>>)
    %dma_start3A_93 = arith.constant 0 : i32
    %dma_start3A_94 = arith.constant 0 : i32
    %dma_start3A_95 = arith.constant 0 : i32
    %dma_start3A_96 = tpu.memref_slice %arg11[%dma_start3A_93, %dma_start3A_94, %dma_start3A_95] : memref<2x1000x16xf32, #tpu.memory_space<vmem>> -> memref<1x1000x16xf32, #tpu.memory_space<vmem>>
    %dma_start3A_97 = tpu.memref_squeeze %dma_start3A_96 : memref<1x1000x16xf32, #tpu.memory_space<vmem>> -> memref<1000x16xf32, #tpu.memory_space<vmem>>
    %dma_start3A_98 = arith.constant 0 : i32
    %dma_start3A_99 = tpu.memref_slice %arg7[%multiple_of3A_79, %dma_start3A_98] : memref<800000x16xf32, #tpu.memory_space<hbm>> -> memref<1000x16xf32, #tpu.memory_space<hbm>>
    %dma_start3A_100 = arith.constant 0 : i32
    %dma_start3A_101 = tpu.memref_slice %arg7[%multiple_of3A_79, %dma_start3A_100] : memref<800000x16xf32, #tpu.memory_space<hbm>> -> memref<1000x16xf32, #tpu.memory_space<hbm>>
    %dma_start3A_102 = arith.constant 0 : i32
    %dma_start3A_103 = arith.constant 0 : i32
    %dma_start3A_104 = tpu.memref_slice %arg11[%dma_start3A_93, %dma_start3A_102, %dma_start3A_103] : memref<2x1000x16xf32, #tpu.memory_space<vmem>> -> memref<1x1000x16xf32, #tpu.memory_space<vmem>>
    %dma_start3A_105 = tpu.memref_squeeze %dma_start3A_104 : memref<1x1000x16xf32, #tpu.memory_space<vmem>> -> memref<1000x16xf32, #tpu.memory_space<vmem>>
    tpu.enqueue_dma source(%dma_start3A_105 : memref<1000x16xf32, #tpu.memory_space<vmem>>) target(%dma_start3A_101 : memref<1000x16xf32, #tpu.memory_space<hbm>>) target_semaphore(%arg15 : memref<!tpu.dma_semaphore, #tpu.memory_space<semaphore_mem>>)
    %add3A_106 = arith.constant 22000 : i32
    %add3A_107 = arith.addi %multiple_of3A, %add3A_106 : i32
    %multiple_of3A_108 = tpu.assume_multiple %add3A_107, 8 : i32
    %dma_wait3A_109 = arith.constant 0 : i32
    %dma_wait3A_110 = arith.constant 0 : i32
    %dma_wait3A_111 = arith.constant 0 : i32
    %dma_wait3A_112 = tpu.memref_slice %arg10[%dma_wait3A_109, %dma_wait3A_110, %dma_wait3A_111] : memref<2x1000x16xf32, #tpu.memory_space<vmem>> -> memref<1x1000x16xf32, #tpu.memory_space<vmem>>
    %dma_wait3A_113 = tpu.memref_squeeze %dma_wait3A_112 : memref<1x1000x16xf32, #tpu.memory_space<vmem>> -> memref<1000x16xf32, #tpu.memory_space<vmem>>
    %dma_wait3A_114 = arith.constant 0 : i32
    %dma_wait3A_115 = tpu.memref_slice %arg6[%multiple_of3A_108, %dma_wait3A_114] : memref<800000x16xf32, #tpu.memory_space<hbm>> -> memref<1000x16xf32, #tpu.memory_space<hbm>>
    %dma_wait3A_116 = arith.constant 0 : i32
    %dma_wait3A_117 = tpu.memref_slice %arg6[%multiple_of3A_108, %dma_wait3A_116] : memref<800000x16xf32, #tpu.memory_space<hbm>> -> memref<1000x16xf32, #tpu.memory_space<hbm>>
    %dma_wait3A_118 = arith.constant 0 : i32
    %dma_wait3A_119 = arith.constant 0 : i32
    %dma_wait3A_120 = tpu.memref_slice %arg10[%dma_wait3A_109, %dma_wait3A_118, %dma_wait3A_119] : memref<2x1000x16xf32, #tpu.memory_space<vmem>> -> memref<1x1000x16xf32, #tpu.memory_space<vmem>>
    %dma_wait3A_121 = tpu.memref_squeeze %dma_wait3A_120 : memref<1x1000x16xf32, #tpu.memory_space<vmem>> -> memref<1000x16xf32, #tpu.memory_space<vmem>>
    tpu.wait_dma2 semaphore(%arg15 : memref<!tpu.dma_semaphore, #tpu.memory_space<semaphore_mem>>) src(%dma_wait3A_121 : memref<1000x16xf32, #tpu.memory_space<vmem>>) dst(%dma_wait3A_117 : memref<1000x16xf32, #tpu.memory_space<hbm>>)
    %dma_wait3A_122 = arith.constant 0 : i32
    %dma_wait3A_123 = arith.constant 0 : i32
    %dma_wait3A_124 = arith.constant 0 : i32
    %dma_wait3A_125 = tpu.memref_slice %arg11[%dma_wait3A_122, %dma_wait3A_123, %dma_wait3A_124] : memref<2x1000x16xf32, #tpu.memory_space<vmem>> -> memref<1x1000x16xf32, #tpu.memory_space<vmem>>
    %dma_wait3A_126 = tpu.memref_squeeze %dma_wait3A_125 : memref<1x1000x16xf32, #tpu.memory_space<vmem>> -> memref<1000x16xf32, #tpu.memory_space<vmem>>
    %dma_wait3A_127 = arith.constant 0 : i32
    %dma_wait3A_128 = tpu.memref_slice %arg7[%multiple_of3A_108, %dma_wait3A_127] : memref<800000x16xf32, #tpu.memory_space<hbm>> -> memref<1000x16xf32, #tpu.memory_space<hbm>>
    %dma_wait3A_129 = arith.constant 0 : i32
    %dma_wait3A_130 = tpu.memref_slice %arg7[%multiple_of3A_108, %dma_wait3A_129] : memref<800000x16xf32, #tpu.memory_space<hbm>> -> memref<1000x16xf32, #tpu.memory_space<hbm>>
    %dma_wait3A_131 = arith.constant 0 : i32
    %dma_wait3A_132 = arith.constant 0 : i32
    %dma_wait3A_133 = tpu.memref_slice %arg11[%dma_wait3A_122, %dma_wait3A_131, %dma_wait3A_132] : memref<2x1000x16xf32, #tpu.memory_space<vmem>> -> memref<1x1000x16xf32, #tpu.memory_space<vmem>>
    %dma_wait3A_134 = tpu.memref_squeeze %dma_wait3A_133 : memref<1x1000x16xf32, #tpu.memory_space<vmem>> -> memref<1000x16xf32, #tpu.memory_space<vmem>>
    tpu.wait_dma2 semaphore(%arg15 : memref<!tpu.dma_semaphore, #tpu.memory_space<semaphore_mem>>) src(%dma_wait3A_134 : memref<1000x16xf32, #tpu.memory_space<vmem>>) dst(%dma_wait3A_130 : memref<1000x16xf32, #tpu.memory_space<hbm>>)
    %multiple_of3A_135 = arith.constant 24000 : i32
    %multiple_of3A_136 = tpu.assume_multiple %multiple_of3A_135, 8 : i32
    %dma_start3A_137 = arith.constant 0 : i32
    %dma_start3A_138 = arith.constant 0 : i32
    %dma_start3A_139 = arith.constant 0 : i32
    %dma_start3A_140 = tpu.memref_slice %arg10[%dma_start3A_137, %dma_start3A_138, %dma_start3A_139] : memref<2x1000x16xf32, #tpu.memory_space<vmem>> -> memref<1x1000x16xf32, #tpu.memory_space<vmem>>
    %dma_start3A_141 = tpu.memref_squeeze %dma_start3A_140 : memref<1x1000x16xf32, #tpu.memory_space<vmem>> -> memref<1000x16xf32, #tpu.memory_space<vmem>>
    %dma_start3A_142 = tpu.memref_slice %arg8[%multiple_of3A_136] : memref<25000xi32, #tpu.memory_space<vmem>> -> memref<1000xi32, #tpu.memory_space<vmem>>
    %dma_start3A_143 = arith.constant 0 : i32
    %dma_start3A_144 = arith.constant 0 : i32
    %dma_start3A_145 = tpu.memref_slice %arg4[%dma_start3A_143, %dma_start3A_144] : memref<25000x16xf32, #tpu.memory_space<hbm>> -> memref<25000x16xf32, #tpu.memory_space<hbm>>
    tpu.enqueue_indirect_dma source(%dma_start3A_145 : memref<25000x16xf32, #tpu.memory_space<hbm>>) target(%dma_start3A_141 : memref<1000x16xf32, #tpu.memory_space<vmem>>) offsets(%dma_start3A_142 : memref<1000xi32, #tpu.memory_space<vmem>>) semaphore(%arg13 : memref<!tpu.dma_semaphore, #tpu.memory_space<semaphore_mem>>)
    %dma_start3A_146 = arith.constant 0 : i32
    %dma_start3A_147 = arith.constant 0 : i32
    %dma_start3A_148 = arith.constant 0 : i32
    %dma_start3A_149 = tpu.memref_slice %arg11[%dma_start3A_146, %dma_start3A_147, %dma_start3A_148] : memref<2x1000x16xf32, #tpu.memory_space<vmem>> -> memref<1x1000x16xf32, #tpu.memory_space<vmem>>
    %dma_start3A_150 = tpu.memref_squeeze %dma_start3A_149 : memref<1x1000x16xf32, #tpu.memory_space<vmem>> -> memref<1000x16xf32, #tpu.memory_space<vmem>>
    %dma_start3A_151 = tpu.memref_slice %arg9[%multiple_of3A_136] : memref<25000xi32, #tpu.memory_space<vmem>> -> memref<1000xi32, #tpu.memory_space<vmem>>
    %dma_start3A_152 = arith.constant 0 : i32
    %dma_start3A_153 = arith.constant 0 : i32
    %dma_start3A_154 = tpu.memref_slice %arg5[%dma_start3A_152, %dma_start3A_153] : memref<25000x16xf32, #tpu.memory_space<hbm>> -> memref<25000x16xf32, #tpu.memory_space<hbm>>
    tpu.enqueue_indirect_dma source(%dma_start3A_154 : memref<25000x16xf32, #tpu.memory_space<hbm>>) target(%dma_start3A_150 : memref<1000x16xf32, #tpu.memory_space<vmem>>) offsets(%dma_start3A_151 : memref<1000xi32, #tpu.memory_space<vmem>>) semaphore(%arg13 : memref<!tpu.dma_semaphore, #tpu.memory_space<semaphore_mem>>)
    %multiple_of3A_155 = arith.constant 23000 : i32
    %multiple_of3A_156 = tpu.assume_multiple %multiple_of3A_155, 8 : i32
    %dma_wait3A_157 = arith.constant 1 : i32
    %dma_wait3A_158 = arith.constant 0 : i32
    %dma_wait3A_159 = arith.constant 0 : i32
    %dma_wait3A_160 = tpu.memref_slice %arg10[%dma_wait3A_157, %dma_wait3A_158, %dma_wait3A_159] : memref<2x1000x16xf32, #tpu.memory_space<vmem>> -> memref<1x1000x16xf32, #tpu.memory_space<vmem>>
    %dma_wait3A_161 = tpu.memref_squeeze %dma_wait3A_160 : memref<1x1000x16xf32, #tpu.memory_space<vmem>> -> memref<1000x16xf32, #tpu.memory_space<vmem>>
    %dma_wait3A_162 = tpu.memref_slice %arg8[%multiple_of3A_156] : memref<25000xi32, #tpu.memory_space<vmem>> -> memref<1000xi32, #tpu.memory_space<vmem>>
    %dma_wait3A_163 = arith.constant 0 : i32
    %dma_wait3A_164 = arith.constant 0 : i32
    %dma_wait3A_165 = tpu.memref_slice %arg4[%dma_wait3A_163, %dma_wait3A_164] : memref<25000x16xf32, #tpu.memory_space<hbm>> -> memref<25000x16xf32, #tpu.memory_space<hbm>>
    tpu.wait_indirect_dma semaphore(%arg14 : memref<!tpu.dma_semaphore, #tpu.memory_space<semaphore_mem>>) src(%dma_wait3A_165 : memref<25000x16xf32, #tpu.memory_space<hbm>>) dst(%dma_wait3A_161 : memref<1000x16xf32, #tpu.memory_space<vmem>>)
    %dma_wait3A_166 = arith.constant 1 : i32
    %dma_wait3A_167 = arith.constant 0 : i32
    %dma_wait3A_168 = arith.constant 0 : i32
    %dma_wait3A_169 = tpu.memref_slice %arg11[%dma_wait3A_166, %dma_wait3A_167, %dma_wait3A_168] : memref<2x1000x16xf32, #tpu.memory_space<vmem>> -> memref<1x1000x16xf32, #tpu.memory_space<vmem>>
    %dma_wait3A_170 = tpu.memref_squeeze %dma_wait3A_169 : memref<1x1000x16xf32, #tpu.memory_space<vmem>> -> memref<1000x16xf32, #tpu.memory_space<vmem>>
    %dma_wait3A_171 = tpu.memref_slice %arg9[%multiple_of3A_156] : memref<25000xi32, #tpu.memory_space<vmem>> -> memref<1000xi32, #tpu.memory_space<vmem>>
    %dma_wait3A_172 = arith.constant 0 : i32
    %dma_wait3A_173 = arith.constant 0 : i32
    %dma_wait3A_174 = tpu.memref_slice %arg5[%dma_wait3A_172, %dma_wait3A_173] : memref<25000x16xf32, #tpu.memory_space<hbm>> -> memref<25000x16xf32, #tpu.memory_space<hbm>>
    tpu.wait_indirect_dma semaphore(%arg14 : memref<!tpu.dma_semaphore, #tpu.memory_space<semaphore_mem>>) src(%dma_wait3A_174 : memref<25000x16xf32, #tpu.memory_space<hbm>>) dst(%dma_wait3A_170 : memref<1000x16xf32, #tpu.memory_space<vmem>>)
    %add3A_175 = arith.constant 23000 : i32
    %add3A_176 = arith.addi %multiple_of3A, %add3A_175 : i32
    %multiple_of3A_177 = tpu.assume_multiple %add3A_176, 8 : i32
    %dma_start3A_178 = arith.constant 1 : i32
    %dma_start3A_179 = arith.constant 0 : i32
    %dma_start3A_180 = arith.constant 0 : i32
    %dma_start3A_181 = tpu.memref_slice %arg10[%dma_start3A_178, %dma_start3A_179, %dma_start3A_180] : memref<2x1000x16xf32, #tpu.memory_space<vmem>> -> memref<1x1000x16xf32, #tpu.memory_space<vmem>>
    %dma_start3A_182 = tpu.memref_squeeze %dma_start3A_181 : memref<1x1000x16xf32, #tpu.memory_space<vmem>> -> memref<1000x16xf32, #tpu.memory_space<vmem>>
    %dma_start3A_183 = arith.constant 0 : i32
    %dma_start3A_184 = tpu.memref_slice %arg6[%multiple_of3A_177, %dma_start3A_183] : memref<800000x16xf32, #tpu.memory_space<hbm>> -> memref<1000x16xf32, #tpu.memory_space<hbm>>
    %dma_start3A_185 = arith.constant 0 : i32
    %dma_start3A_186 = tpu.memref_slice %arg6[%multiple_of3A_177, %dma_start3A_185] : memref<800000x16xf32, #tpu.memory_space<hbm>> -> memref<1000x16xf32, #tpu.memory_space<hbm>>
    %dma_start3A_187 = arith.constant 0 : i32
    %dma_start3A_188 = arith.constant 0 : i32
    %dma_start3A_189 = tpu.memref_slice %arg10[%dma_start3A_178, %dma_start3A_187, %dma_start3A_188] : memref<2x1000x16xf32, #tpu.memory_space<vmem>> -> memref<1x1000x16xf32, #tpu.memory_space<vmem>>
    %dma_start3A_190 = tpu.memref_squeeze %dma_start3A_189 : memref<1x1000x16xf32, #tpu.memory_space<vmem>> -> memref<1000x16xf32, #tpu.memory_space<vmem>>
    tpu.enqueue_dma source(%dma_start3A_190 : memref<1000x16xf32, #tpu.memory_space<vmem>>) target(%dma_start3A_186 : memref<1000x16xf32, #tpu.memory_space<hbm>>) target_semaphore(%arg16 : memref<!tpu.dma_semaphore, #tpu.memory_space<semaphore_mem>>)
    %dma_start3A_191 = arith.constant 1 : i32
    %dma_start3A_192 = arith.constant 0 : i32
    %dma_start3A_193 = arith.constant 0 : i32
    %dma_start3A_194 = tpu.memref_slice %arg11[%dma_start3A_191, %dma_start3A_192, %dma_start3A_193] : memref<2x1000x16xf32, #tpu.memory_space<vmem>> -> memref<1x1000x16xf32, #tpu.memory_space<vmem>>
    %dma_start3A_195 = tpu.memref_squeeze %dma_start3A_194 : memref<1x1000x16xf32, #tpu.memory_space<vmem>> -> memref<1000x16xf32, #tpu.memory_space<vmem>>
    %dma_start3A_196 = arith.constant 0 : i32
    %dma_start3A_197 = tpu.memref_slice %arg7[%multiple_of3A_177, %dma_start3A_196] : memref<800000x16xf32, #tpu.memory_space<hbm>> -> memref<1000x16xf32, #tpu.memory_space<hbm>>
    %dma_start3A_198 = arith.constant 0 : i32
    %dma_start3A_199 = tpu.memref_slice %arg7[%multiple_of3A_177, %dma_start3A_198] : memref<800000x16xf32, #tpu.memory_space<hbm>> -> memref<1000x16xf32, #tpu.memory_space<hbm>>
    %dma_start3A_200 = arith.constant 0 : i32
    %dma_start3A_201 = arith.constant 0 : i32
    %dma_start3A_202 = tpu.memref_slice %arg11[%dma_start3A_191, %dma_start3A_200, %dma_start3A_201] : memref<2x1000x16xf32, #tpu.memory_space<vmem>> -> memref<1x1000x16xf32, #tpu.memory_space<vmem>>
    %dma_start3A_203 = tpu.memref_squeeze %dma_start3A_202 : memref<1x1000x16xf32, #tpu.memory_space<vmem>> -> memref<1000x16xf32, #tpu.memory_space<vmem>>
    tpu.enqueue_dma source(%dma_start3A_203 : memref<1000x16xf32, #tpu.memory_space<vmem>>) target(%dma_start3A_199 : memref<1000x16xf32, #tpu.memory_space<hbm>>) target_semaphore(%arg16 : memref<!tpu.dma_semaphore, #tpu.memory_space<semaphore_mem>>)
    %multiple_of3A_204 = arith.constant 24000 : i32
    %multiple_of3A_205 = tpu.assume_multiple %multiple_of3A_204, 8 : i32
    %dma_wait3A_206 = arith.constant 0 : i32
    %dma_wait3A_207 = arith.constant 0 : i32
    %dma_wait3A_208 = arith.constant 0 : i32
    %dma_wait3A_209 = tpu.memref_slice %arg10[%dma_wait3A_206, %dma_wait3A_207, %dma_wait3A_208] : memref<2x1000x16xf32, #tpu.memory_space<vmem>> -> memref<1x1000x16xf32, #tpu.memory_space<vmem>>
    %dma_wait3A_210 = tpu.memref_squeeze %dma_wait3A_209 : memref<1x1000x16xf32, #tpu.memory_space<vmem>> -> memref<1000x16xf32, #tpu.memory_space<vmem>>
    %dma_wait3A_211 = tpu.memref_slice %arg8[%multiple_of3A_205] : memref<25000xi32, #tpu.memory_space<vmem>> -> memref<1000xi32, #tpu.memory_space<vmem>>
    %dma_wait3A_212 = arith.constant 0 : i32
    %dma_wait3A_213 = arith.constant 0 : i32
    %dma_wait3A_214 = tpu.memref_slice %arg4[%dma_wait3A_212, %dma_wait3A_213] : memref<25000x16xf32, #tpu.memory_space<hbm>> -> memref<25000x16xf32, #tpu.memory_space<hbm>>
    tpu.wait_indirect_dma semaphore(%arg13 : memref<!tpu.dma_semaphore, #tpu.memory_space<semaphore_mem>>) src(%dma_wait3A_214 : memref<25000x16xf32, #tpu.memory_space<hbm>>) dst(%dma_wait3A_210 : memref<1000x16xf32, #tpu.memory_space<vmem>>)
    %dma_wait3A_215 = arith.constant 0 : i32
    %dma_wait3A_216 = arith.constant 0 : i32
    %dma_wait3A_217 = arith.constant 0 : i32
    %dma_wait3A_218 = tpu.memref_slice %arg11[%dma_wait3A_215, %dma_wait3A_216, %dma_wait3A_217] : memref<2x1000x16xf32, #tpu.memory_space<vmem>> -> memref<1x1000x16xf32, #tpu.memory_space<vmem>>
    %dma_wait3A_219 = tpu.memref_squeeze %dma_wait3A_218 : memref<1x1000x16xf32, #tpu.memory_space<vmem>> -> memref<1000x16xf32, #tpu.memory_space<vmem>>
    %dma_wait3A_220 = tpu.memref_slice %arg9[%multiple_of3A_205] : memref<25000xi32, #tpu.memory_space<vmem>> -> memref<1000xi32, #tpu.memory_space<vmem>>
    %dma_wait3A_221 = arith.constant 0 : i32
    %dma_wait3A_222 = arith.constant 0 : i32
    %dma_wait3A_223 = tpu.memref_slice %arg5[%dma_wait3A_221, %dma_wait3A_222] : memref<25000x16xf32, #tpu.memory_space<hbm>> -> memref<25000x16xf32, #tpu.memory_space<hbm>>
    tpu.wait_indirect_dma semaphore(%arg13 : memref<!tpu.dma_semaphore, #tpu.memory_space<semaphore_mem>>) src(%dma_wait3A_223 : memref<25000x16xf32, #tpu.memory_space<hbm>>) dst(%dma_wait3A_219 : memref<1000x16xf32, #tpu.memory_space<vmem>>)
    %add3A_224 = arith.constant 24000 : i32
    %add3A_225 = arith.addi %multiple_of3A, %add3A_224 : i32
    %multiple_of3A_226 = tpu.assume_multiple %add3A_225, 8 : i32
    %dma_start3A_227 = arith.constant 0 : i32
    %dma_start3A_228 = arith.constant 0 : i32
    %dma_start3A_229 = arith.constant 0 : i32
    %dma_start3A_230 = tpu.memref_slice %arg10[%dma_start3A_227, %dma_start3A_228, %dma_start3A_229] : memref<2x1000x16xf32, #tpu.memory_space<vmem>> -> memref<1x1000x16xf32, #tpu.memory_space<vmem>>
    %dma_start3A_231 = tpu.memref_squeeze %dma_start3A_230 : memref<1x1000x16xf32, #tpu.memory_space<vmem>> -> memref<1000x16xf32, #tpu.memory_space<vmem>>
    %dma_start3A_232 = arith.constant 0 : i32
    %dma_start3A_233 = tpu.memref_slice %arg6[%multiple_of3A_226, %dma_start3A_232] : memref<800000x16xf32, #tpu.memory_space<hbm>> -> memref<1000x16xf32, #tpu.memory_space<hbm>>
    %dma_start3A_234 = arith.constant 0 : i32
    %dma_start3A_235 = tpu.memref_slice %arg6[%multiple_of3A_226, %dma_start3A_234] : memref<800000x16xf32, #tpu.memory_space<hbm>> -> memref<1000x16xf32, #tpu.memory_space<hbm>>
    %dma_start3A_236 = arith.constant 0 : i32
    %dma_start3A_237 = arith.constant 0 : i32
    %dma_start3A_238 = tpu.memref_slice %arg10[%dma_start3A_227, %dma_start3A_236, %dma_start3A_237] : memref<2x1000x16xf32, #tpu.memory_space<vmem>> -> memref<1x1000x16xf32, #tpu.memory_space<vmem>>
    %dma_start3A_239 = tpu.memref_squeeze %dma_start3A_238 : memref<1x1000x16xf32, #tpu.memory_space<vmem>> -> memref<1000x16xf32, #tpu.memory_space<vmem>>
    tpu.enqueue_dma source(%dma_start3A_239 : memref<1000x16xf32, #tpu.memory_space<vmem>>) target(%dma_start3A_235 : memref<1000x16xf32, #tpu.memory_space<hbm>>) target_semaphore(%arg15 : memref<!tpu.dma_semaphore, #tpu.memory_space<semaphore_mem>>)
    %dma_start3A_240 = arith.constant 0 : i32
    %dma_start3A_241 = arith.constant 0 : i32
    %dma_start3A_242 = arith.constant 0 : i32
    %dma_start3A_243 = tpu.memref_slice %arg11[%dma_start3A_240, %dma_start3A_241, %dma_start3A_242] : memref<2x1000x16xf32, #tpu.memory_space<vmem>> -> memref<1x1000x16xf32, #tpu.memory_space<vmem>>
    %dma_start3A_244 = tpu.memref_squeeze %dma_start3A_243 : memref<1x1000x16xf32, #tpu.memory_space<vmem>> -> memref<1000x16xf32, #tpu.memory_space<vmem>>
    %dma_start3A_245 = arith.constant 0 : i32
    %dma_start3A_246 = tpu.memref_slice %arg7[%multiple_of3A_226, %dma_start3A_245] : memref<800000x16xf32, #tpu.memory_space<hbm>> -> memref<1000x16xf32, #tpu.memory_space<hbm>>
    %dma_start3A_247 = arith.constant 0 : i32
    %dma_start3A_248 = tpu.memref_slice %arg7[%multiple_of3A_226, %dma_start3A_247] : memref<800000x16xf32, #tpu.memory_space<hbm>> -> memref<1000x16xf32, #tpu.memory_space<hbm>>
    %dma_start3A_249 = arith.constant 0 : i32
    %dma_start3A_250 = arith.constant 0 : i32
    %dma_start3A_251 = tpu.memref_slice %arg11[%dma_start3A_240, %dma_start3A_249, %dma_start3A_250] : memref<2x1000x16xf32, #tpu.memory_space<vmem>> -> memref<1x1000x16xf32, #tpu.memory_space<vmem>>
    %dma_start3A_252 = tpu.memref_squeeze %dma_start3A_251 : memref<1x1000x16xf32, #tpu.memory_space<vmem>> -> memref<1000x16xf32, #tpu.memory_space<vmem>>
    tpu.enqueue_dma source(%dma_start3A_252 : memref<1000x16xf32, #tpu.memory_space<vmem>>) target(%dma_start3A_248 : memref<1000x16xf32, #tpu.memory_space<hbm>>) target_semaphore(%arg15 : memref<!tpu.dma_semaphore, #tpu.memory_space<semaphore_mem>>)
    %add3A_253 = arith.constant 23000 : i32
    %add3A_254 = arith.addi %multiple_of3A, %add3A_253 : i32
    %multiple_of3A_255 = tpu.assume_multiple %add3A_254, 8 : i32
    %dma_wait3A_256 = arith.constant 1 : i32
    %dma_wait3A_257 = arith.constant 0 : i32
    %dma_wait3A_258 = arith.constant 0 : i32
    %dma_wait3A_259 = tpu.memref_slice %arg10[%dma_wait3A_256, %dma_wait3A_257, %dma_wait3A_258] : memref<2x1000x16xf32, #tpu.memory_space<vmem>> -> memref<1x1000x16xf32, #tpu.memory_space<vmem>>
    %dma_wait3A_260 = tpu.memref_squeeze %dma_wait3A_259 : memref<1x1000x16xf32, #tpu.memory_space<vmem>> -> memref<1000x16xf32, #tpu.memory_space<vmem>>
    %dma_wait3A_261 = arith.constant 0 : i32
    %dma_wait3A_262 = tpu.memref_slice %arg6[%multiple_of3A_255, %dma_wait3A_261] : memref<800000x16xf32, #tpu.memory_space<hbm>> -> memref<1000x16xf32, #tpu.memory_space<hbm>>
    %dma_wait3A_263 = arith.constant 0 : i32
    %dma_wait3A_264 = tpu.memref_slice %arg6[%multiple_of3A_255, %dma_wait3A_263] : memref<800000x16xf32, #tpu.memory_space<hbm>> -> memref<1000x16xf32, #tpu.memory_space<hbm>>
    %dma_wait3A_265 = arith.constant 0 : i32
    %dma_wait3A_266 = arith.constant 0 : i32
    %dma_wait3A_267 = tpu.memref_slice %arg10[%dma_wait3A_256, %dma_wait3A_265, %dma_wait3A_266] : memref<2x1000x16xf32, #tpu.memory_space<vmem>> -> memref<1x1000x16xf32, #tpu.memory_space<vmem>>
    %dma_wait3A_268 = tpu.memref_squeeze %dma_wait3A_267 : memref<1x1000x16xf32, #tpu.memory_space<vmem>> -> memref<1000x16xf32, #tpu.memory_space<vmem>>
    tpu.wait_dma2 semaphore(%arg16 : memref<!tpu.dma_semaphore, #tpu.memory_space<semaphore_mem>>) src(%dma_wait3A_268 : memref<1000x16xf32, #tpu.memory_space<vmem>>) dst(%dma_wait3A_264 : memref<1000x16xf32, #tpu.memory_space<hbm>>)
    %dma_wait3A_269 = arith.constant 1 : i32
    %dma_wait3A_270 = arith.constant 0 : i32
    %dma_wait3A_271 = arith.constant 0 : i32
    %dma_wait3A_272 = tpu.memref_slice %arg11[%dma_wait3A_269, %dma_wait3A_270, %dma_wait3A_271] : memref<2x1000x16xf32, #tpu.memory_space<vmem>> -> memref<1x1000x16xf32, #tpu.memory_space<vmem>>
    %dma_wait3A_273 = tpu.memref_squeeze %dma_wait3A_272 : memref<1x1000x16xf32, #tpu.memory_space<vmem>> -> memref<1000x16xf32, #tpu.memory_space<vmem>>
    %dma_wait3A_274 = arith.constant 0 : i32
    %dma_wait3A_275 = tpu.memref_slice %arg7[%multiple_of3A_255, %dma_wait3A_274] : memref<800000x16xf32, #tpu.memory_space<hbm>> -> memref<1000x16xf32, #tpu.memory_space<hbm>>
    %dma_wait3A_276 = arith.constant 0 : i32
    %dma_wait3A_277 = tpu.memref_slice %arg7[%multiple_of3A_255, %dma_wait3A_276] : memref<800000x16xf32, #tpu.memory_space<hbm>> -> memref<1000x16xf32, #tpu.memory_space<hbm>>
    %dma_wait3A_278 = arith.constant 0 : i32
    %dma_wait3A_279 = arith.constant 0 : i32
    %dma_wait3A_280 = tpu.memref_slice %arg11[%dma_wait3A_269, %dma_wait3A_278, %dma_wait3A_279] : memref<2x1000x16xf32, #tpu.memory_space<vmem>> -> memref<1x1000x16xf32, #tpu.memory_space<vmem>>
    %dma_wait3A_281 = tpu.memref_squeeze %dma_wait3A_280 : memref<1x1000x16xf32, #tpu.memory_space<vmem>> -> memref<1000x16xf32, #tpu.memory_space<vmem>>
    tpu.wait_dma2 semaphore(%arg16 : memref<!tpu.dma_semaphore, #tpu.memory_space<semaphore_mem>>) src(%dma_wait3A_281 : memref<1000x16xf32, #tpu.memory_space<vmem>>) dst(%dma_wait3A_277 : memref<1000x16xf32, #tpu.memory_space<hbm>>)
    %add3A_282 = arith.constant 24000 : i32
    %add3A_283 = arith.addi %multiple_of3A, %add3A_282 : i32
    %multiple_of3A_284 = tpu.assume_multiple %add3A_283, 8 : i32
    %dma_wait3A_285 = arith.constant 0 : i32
    %dma_wait3A_286 = arith.constant 0 : i32
    %dma_wait3A_287 = arith.constant 0 : i32
    %dma_wait3A_288 = tpu.memref_slice %arg10[%dma_wait3A_285, %dma_wait3A_286, %dma_wait3A_287] : memref<2x1000x16xf32, #tpu.memory_space<vmem>> -> memref<1x1000x16xf32, #tpu.memory_space<vmem>>
    %dma_wait3A_289 = tpu.memref_squeeze %dma_wait3A_288 : memref<1x1000x16xf32, #tpu.memory_space<vmem>> -> memref<1000x16xf32, #tpu.memory_space<vmem>>
    %dma_wait3A_290 = arith.constant 0 : i32
    %dma_wait3A_291 = tpu.memref_slice %arg6[%multiple_of3A_284, %dma_wait3A_290] : memref<800000x16xf32, #tpu.memory_space<hbm>> -> memref<1000x16xf32, #tpu.memory_space<hbm>>
    %dma_wait3A_292 = arith.constant 0 : i32
    %dma_wait3A_293 = tpu.memref_slice %arg6[%multiple_of3A_284, %dma_wait3A_292] : memref<800000x16xf32, #tpu.memory_space<hbm>> -> memref<1000x16xf32, #tpu.memory_space<hbm>>
    %dma_wait3A_294 = arith.constant 0 : i32
    %dma_wait3A_295 = arith.constant 0 : i32
    %dma_wait3A_296 = tpu.memref_slice %arg10[%dma_wait3A_285, %dma_wait3A_294, %dma_wait3A_295] : memref<2x1000x16xf32, #tpu.memory_space<vmem>> -> memref<1x1000x16xf32, #tpu.memory_space<vmem>>
    %dma_wait3A_297 = tpu.memref_squeeze %dma_wait3A_296 : memref<1x1000x16xf32, #tpu.memory_space<vmem>> -> memref<1000x16xf32, #tpu.memory_space<vmem>>
    tpu.wait_dma2 semaphore(%arg15 : memref<!tpu.dma_semaphore, #tpu.memory_space<semaphore_mem>>) src(%dma_wait3A_297 : memref<1000x16xf32, #tpu.memory_space<vmem>>) dst(%dma_wait3A_293 : memref<1000x16xf32, #tpu.memory_space<hbm>>)
    %dma_wait3A_298 = arith.constant 0 : i32
    %dma_wait3A_299 = arith.constant 0 : i32
    %dma_wait3A_300 = arith.constant 0 : i32
    %dma_wait3A_301 = tpu.memref_slice %arg11[%dma_wait3A_298, %dma_wait3A_299, %dma_wait3A_300] : memref<2x1000x16xf32, #tpu.memory_space<vmem>> -> memref<1x1000x16xf32, #tpu.memory_space<vmem>>
    %dma_wait3A_302 = tpu.memref_squeeze %dma_wait3A_301 : memref<1x1000x16xf32, #tpu.memory_space<vmem>> -> memref<1000x16xf32, #tpu.memory_space<vmem>>
    %dma_wait3A_303 = arith.constant 0 : i32
    %dma_wait3A_304 = tpu.memref_slice %arg7[%multiple_of3A_284, %dma_wait3A_303] : memref<800000x16xf32, #tpu.memory_space<hbm>> -> memref<1000x16xf32, #tpu.memory_space<hbm>>
    %dma_wait3A_305 = arith.constant 0 : i32
    %dma_wait3A_306 = tpu.memref_slice %arg7[%multiple_of3A_284, %dma_wait3A_305] : memref<800000x16xf32, #tpu.memory_space<hbm>> -> memref<1000x16xf32, #tpu.memory_space<hbm>>
    %dma_wait3A_307 = arith.constant 0 : i32
    %dma_wait3A_308 = arith.constant 0 : i32
    %dma_wait3A_309 = tpu.memref_slice %arg11[%dma_wait3A_298, %dma_wait3A_307, %dma_wait3A_308] : memref<2x1000x16xf32, #tpu.memory_space<vmem>> -> memref<1x1000x16xf32, #tpu.memory_space<vmem>>
    %dma_wait3A_310 = tpu.memref_squeeze %dma_wait3A_309 : memref<1x1000x16xf32, #tpu.memory_space<vmem>> -> memref<1000x16xf32, #tpu.memory_space<vmem>>
    tpu.wait_dma2 semaphore(%arg15 : memref<!tpu.dma_semaphore, #tpu.memory_space<semaphore_mem>>) src(%dma_wait3A_310 : memref<1000x16xf32, #tpu.memory_space<vmem>>) dst(%dma_wait3A_306 : memref<1000x16xf32, #tpu.memory_space<hbm>>)
    return
  }
}

</mosaic_0001>

<sc_bundles>
// kernel: kernel.3.cloned.1.call-start
scs
__scs_entry_jumppad:
0x0: {  	(pc) =	sbr.rel $0x88, $3  }
0x1: {  	(tag) =	ssettag $0x0;
	lr =	simm.s32 $0x1  }
0x2: {  	[smem:$0x3F9E] =	sst lr;
	_ =	strace $0xD0000000  }
0x3: {  	_ = 	snop  }
0x4: {  	_ = 	snop  }
0x5: {  	_ = 	snop  }
0x6: {  	_ = 	snop  }
0x7: {  	_ = 	snop  }
__scs_overlays_trampoline_lowered:
0x8: {  	[smem:$0x3FAD] =	sst s0  }
0x9: {  	[smem:$0x3FAE] =	sst s1  }
0xa: {  	[smem:$0x3FAF] =	sst s2  }
0xb: {  	[smem:$0x3FB0] =	sst s3  }
0xc: {  	[smem:$0x3FB1] =	sst s4  }
0xd: {  	[smem:$0x3FB2] =	sst s5  }
0xe: {  	[smem:$0x3FB3] =	sst s6  }
0xf: {  	[smem:$0x3FB4] =	sst s7  }
0x10: {  	[smem:$0x3FB5] =	sst s8  }
0x11: {  	[smem:$0x3FB6] =	sst s9;
	s0 =	simm.s32 @!p0 $0x0  }
0x12: {  	s1 =	sld [smem:$0x3F9C];
	s0 =	simm.s32 @p0 $0x1  }
0x13: {  	[smem:$0x3FB7] =	sst s0;
	s0 =	simm.s32 @!p1 $0x0  }
0x14: {  	s2 =	sld [smem:$0x3F9B];
	s0 =	simm.s32 @p1 $0x1  }
0x15: {  	[smem:$0x3FB8] =	sst s0;
	s0 =	simm.s32 @!p2 $0x0  }
0x16: {  	s3 =	sld [smem:$0x3FDB];
	s0 =	simm.s32 @p2 $0x1  }
0x17: {  	s4 =	simm.s32 $0x1BF5;
	[smem:$0x3FBA] =	sst s0  }
0x18: {  	s0 =	sld [smem:$0x3F9D];
	_ =	swait.ge [sflag:s4], $0x0  }
0x19: {  	s7 =	sld [smem:$0x3F9E]  }
0x1a: {  	s8 =	sadd.s32 $0xFFFFE003, lr  }
0x1b: {  	s9 =	sadd.s32 $0xFFFFFEF7, lr;
	s5 =	simm.s32 $0xFFFFFFFF;
	p2 =	slt.u32 s8, $0xFFFFF086  }
0x1c: {  	p1 =	slt.u32 s9, $0xF7A;
	s5 =	simm.s32 @!p2 $0x0  }
0x1d: {  	s5 =	simm.s32 @p1 $0x1;
	p0 =	seq.s32 s7, s2  }
0x1e: {  	s7 =	smul.u32 @!p0 $0xF7A, s2;
	p2 =	seq.s32 @!p0 s5, $0x0  }
0x1f: {  	s9 =	smul.u32 $0xF7A, s1;
	s8 =	simm.s32 @!p0 $0x1BF5;
	p2 =	por !p2, p0  }
0x20: {  	[sflag:s8] =	ssyncset.s32 @!p0 $0xFFFFF086;
	s6 =	sadd.s32 @!p0 s3, s7;
	s7 =	simm.s32 @!p0 $0x108  }
0x21: {  	s3 =	sadd.s32 s3, s9;
	s6 =	sadd.s32 @!p0 $0x88, s6;
	s7 =	simm.s32 @p2 $0x1082  }
0x22: {  	[simem:s7], [sflag:s8] =	dma.local @!p0 [hbm:s6], $0xF7A  }
0x23: {  	s9 =	sor.u32 $0xD0000000, s2;
	s6 =	simm.s32 $0x108;
	_ =	swait.ge @!p0 [sflag:s8], $0x0  }
0x24: {  	s3 =	sadd.s32 $0x88, s3;
	s6 =	simm.s32 @!p1 $0x1082;
	[sflag:s4] =	ssyncset.s32 $0xFFFFF086  }
0x25: {  	[simem:s6], [sflag:s4] =	dma.local [hbm:s3], $0xF7A  }
0x26: {  	[smem:$0x3F9E] =	sst s1;
	(tag) =	ssettag s2;
	_ =	strace s9  }
0x27: {  	s1 =	sld [smem:$0x3FAE]  }
0x28: {  	s2 =	sld [smem:$0x3FAF]  }
0x29: {  	s4 =	sld [smem:$0x3FB1]  }
0x2a: {  	p0 =	seq.s32 s5, $0x0;
	s5 =	sld [smem:$0x3FB2]  }
0x2b: {  	s6 =	sld [smem:$0x3FB3]  }
0x2c: {  	s7 =	sld [smem:$0x3FB4]  }
0x2d: {  	s3 =	simm.s32 $0x108;
	s8 =	sld [smem:$0x3FB5]  }
0x2e: {  	s3 =	simm.s32 @!p0 $0x1082;
	s9 =	sld [smem:$0x3FB6]  }
0x2f: {  	lr =	sadd.s32 s0, s3;
	s0 =	sld [smem:$0x3FAD]  }
0x30: {  	s3 =	sld [smem:$0x3FB0]  }
0x31: {  	[smem:$0x3FB9] =	sst s10  }
0x32: {  	s10 =	sld [smem:$0x3FB7];
	_ =	sdelay $0x3  }
0x33: {  	p0 =	seq.s32 s10, $0x1;
	s10 =	sld [smem:$0x3FB9];
	_ =	sdelay $0x3  }
0x34: {  	[smem:$0x3FB9] =	sst s10  }
0x35: {  	s10 =	sld [smem:$0x3FB8];
	_ =	sdelay $0x3  }
0x36: {  	p1 =	seq.s32 s10, $0x1;
	s10 =	sld [smem:$0x3FB9];
	_ =	sdelay $0x3  }
0x37: {  	[smem:$0x3FB9] =	sst s10  }
0x38: {  	s10 =	sld [smem:$0x3FBA]  }
0x39: {  	_ = 	snop;
	(pc) =	sbr.ind lr, $3  }
0x3a: {  	_ = 	snop  }
0x3b: {  	_ = 	snop  }
0x3c: {  	p2 =	seq.s32 s10, $0x1;
	s10 =	sld [smem:$0x3FB9]  }
0x3d: {  	_ =	shalt  }
0x3e: {  	_ =	shalt  }
0x3f: {  	_ =	shalt  }
0x40: {  	_ =	shalt  }
0x41: {  	_ =	shalt  }
0x42: {  	_ =	shalt  }
0x43: {  	_ =	shalt  }
0x44: {  	_ =	shalt  }
0x45: {  	_ =	shalt  }
0x46: {  	_ =	shalt  }
0x47: {  	_ =	shalt  }
0x48: {  	_ =	shalt  }
0x49: {  	_ =	shalt  }
0x4a: {  	_ =	shalt  }
0x4b: {  	_ =	shalt  }
0x4c: {  	_ =	shalt  }
0x4d: {  	_ =	shalt  }
0x4e: {  	_ =	shalt  }
0x4f: {  	_ =	shalt  }
0x50: {  	_ =	shalt  }
0x51: {  	_ =	shalt  }
0x52: {  	_ =	shalt  }
0x53: {  	_ =	shalt  }
0x54: {  	_ =	shalt  }
0x55: {  	_ =	shalt  }
0x56: {  	_ =	shalt  }
0x57: {  	_ =	shalt  }
0x58: {  	_ =	shalt  }
0x59: {  	_ =	shalt  }
0x5a: {  	_ =	shalt  }
0x5b: {  	_ =	shalt  }
0x5c: {  	_ =	shalt  }
0x5d: {  	_ =	shalt  }
0x5e: {  	_ =	shalt  }
0x5f: {  	_ =	shalt  }
0x60: {  	_ =	shalt  }
0x61: {  	_ =	shalt  }
0x62: {  	_ =	shalt  }
0x63: {  	_ =	shalt  }
0x64: {  	_ =	shalt  }
0x65: {  	_ =	shalt  }
0x66: {  	_ =	shalt  }
0x67: {  	_ =	shalt  }
0x68: {  	_ =	shalt  }
0x69: {  	_ =	shalt  }
0x6a: {  	_ =	shalt  }
0x6b: {  	_ =	shalt  }
0x6c: {  	_ =	shalt  }
0x6d: {  	_ =	shalt  }
0x6e: {  	_ =	shalt  }
0x6f: {  	_ =	shalt  }
0x70: {  	_ =	shalt  }
0x71: {  	_ =	shalt  }
0x72: {  	_ =	shalt  }
0x73: {  	_ =	shalt  }
0x74: {  	_ =	shalt  }
0x75: {  	_ =	shalt  }
0x76: {  	_ =	shalt  }
0x77: {  	_ =	shalt  }
0x78: {  	_ =	shalt  }
0x79: {  	_ =	shalt  }
0x7a: {  	_ =	shalt  }
0x7b: {  	_ =	shalt  }
0x7c: {  	_ =	shalt  }
0x7d: {  	_ =	shalt  }
0x7e: {  	_ =	shalt  }
0x7f: {  	_ =	shalt  }
0x80: {  	_ =	shalt  }
0x81: {  	_ =	shalt  }
0x82: {  	_ =	shalt  }
0x83: {  	_ =	shalt  }
0x84: {  	_ =	shalt  }
0x85: {  	_ =	shalt  }
0x86: {  	_ =	shalt  }
0x87: {  	_ =	shalt  }
.Lfunc_end0:
.L_simem_size_0:
called_computation_lowered:
.L_overlay_start_0:
0x88: {  	s2 =	sld [smem:$0x3FD9]  }
0x89: {  	s3 =	sld [smem:$0x3FFE];
	_ =	sdelay $0x1  }
0x8a: {  	s1 =	srdreg.scid  }
0x8b: {  	s0 =	sand.u32 $0x1, s1  }
0x8c: {  	s17 =	sshll.u32 s0, $0xA;
	s2 =	sadd.s32 s3, s2  }
0x8d: {  	s2 =	sadd.s32 s2, s17  }
0x8e: {  	[smem:$0x3FC5] =	sst s2  }
0x8f: {  	_ = 	snop  }
0x90: {  	s2 =	sld [smem:$0x3FD0];
	(tm) =	ssettm $0x1  }
0x91: {  	s18 =	sld [smem:$0x3FFB];
	_ =	sdelay $0x3  }
0x92: {  	_ =	strace s18  }
0x93: {  	s3 =	sld [smem:$0x3FFC];
	_ =	sdelay $0x3  }
0x94: {  	_ =	strace s3  }
0x95: {  	s3 =	sld [smem:$0x3FFD];
	_ =	sdelay $0x3  }
0x96: {  	_ =	strace s3  }
0x97: {  	_ =	strace $0x8FFFFFFF  }
0x98: {  	s19 =	sld [smem:$0x3FDB];
	_ =	sdelay $0x1  }
0x99: {  	s4 =	simm.s32 $_scs_section_size  }
0x9a: {  	s5 =	simm.s32 $_size__tile_overlayer_lowered;
	s6 =	simm.s32 $_tile_overlayer_lowered  }
0x9b: {  	s22 =	simm.s32 $0x1BFF;
	s21 =	sshll.u32 s6, $0x1;
	s3 =	sadd.s32 s4, s19  }
0x9c: {  	s7 =	simm.s32 $0x0;
	s20 =	sshll.u32 s5, $0x1;
	s5 =	sadd.s32 s21, s3  }
0x9d: {  	[timem:s7], [sflag:s22] =	dma.local [hbm:s5], s20  }
0x9e: {  	_ =	swait.ge [sflag:s22], s20  }
0x9f: {  	s4 =	ssub.s32 $0x0, s20;
	[sflag:s22] =	ssyncset.done $0x0  }
0xa0: {  	[sflag:s22] =	ssyncadd.s32 s4;
	_ =	sdelay $0x1  }
0xa1: {  	s23 =	simm.s32 $0x1B8B  }
0xa2: {  	_ =	swait.ge [sflag:s23], $0x1  }
0xa3: {  	[sflag:s23] =	ssyncset.done $0x0  }
0xa4: {  	s25 =	simm.s32 $0x1B8E;
	s24 =	sld [smem:$0x3FFE];
	[sflag:s23] =	ssyncadd.s32 $0xFFFFFFFF  }
0xa5: {  	s26 =	simm.s32 $execute0_lowered;
	[smem:$0x3FD2] =	sst s25  }
0xa6: {  	s5 =	sshll.u32 s26, $0x1;
	_ =	strace $0x80000046;
	[dreg:$0x1] =	wrdreg $0xFFFFFFFF  }
0xa7: {  	s28 =	simm.s32 $_size_execute0_lowered;
	s3 =	sadd.s32 s3, s5;
	[dreg:$0x0] =	wrdreg $0x0  }
0xa8: {  	s5 =	sshll.u32 s28, $0x1;
	[dreg:$0x2] =	wrdreg s3  }
0xa9: {  	[dreg:$0x3] =	wrdreg s5  }
0xaa: {  	[dreg:$0x4] =	wrdreg $0xC0  }
0xab: {  	_ =	task [dreg:s7], $0x5FFFF  }
0xac: {  	[dreg:$0x1] =	wrdreg $0xFFFFFFFF  }
0xad: {  	[dreg:$0x0] =	wrdreg $0x60  }
0xae: {  	[dreg:$0x2] =	wrdreg s24  }
0xaf: {  	[dreg:$0x3] =	wrdreg s2  }
0xb0: {  	[dreg:$0x4] =	wrdreg $0x9  }
0xb1: {  	_ =	task.clear_ibuf [dreg:s7], $0x5FFFF;
	_ =	strace $0x90000046  }
0xb2: {  	s29 =	simm.s32 $0x9;
	_ =	strace $0x80000048  }
0xb3: {  	_ =	swait.ge [sflag:s29], $0x1  }
0xb4: {  	[sflag:s29] =	ssyncadd.s32 $0xFFFFFFFF  }
0xb5: {  	_ =	strace $0x90000048  }
0xb6: {  	_ =	sfence  }
0xb7: {  	s30 =	sld [smem:$0x0];
	_ =	sdelay $0x2  }
0xb8: {  	s31 =	sshll.u32 s1, $0xD;
	s1 =	sshrl.u32 s1, $0x2  }
0xb9: {  	s3 =	sand.u32 $0x4000, s31;
	s1 =	sadd.s32 s1, s30  }
0xba: {  	s0 =	sor.u32 s3, s0;
	s1 =	sshll.u32 s1, $0x11  }
0xbb: {  	s0 =	sor.u32 s1, s0  }
0xbc: {  	s0 =	sadd.s32 $0x8F2B, s0  }
0xbd: {  	[sflag:s0] =	ssyncadd.remote.s32 $0x1  }
0xbe: {  	_ =	sfence.sel $0xFFFF  }
0xbf: {  	[dreg:$0x0] =	wrdreg $0xFFFFFFFF;
	(pc) =	sbr.abs _section_cstart, $3  }
0xc0: {  	[dreg:$0x1] =	wrdreg $0xFFFFFFFF  }
0xc1: {  	_ =	task.clear_ibuf [dreg:s7], $0x2FFFF;
	_ =	strace $0x9FFFFFFF  }
0xc2: {  	(tm) =	ssettm $0x7FFFFFFF  }
0xc3: {  	_ =	shalt  }
tec
execute0_lowered:
.L_overlay_start_1:
0x0: {  	(tag) =	ssettag $0x1  }
0x1: {  	s0 =	srdreg.scid;
	s5 =	rddreg [dreg:$0x0]  }
0x2: {  	s16 =	stileid.u32;
	s2 =	rddreg [dreg:$0x1]  }
0x3: {  	s3 =	simm.s32 $0x0;
	s19 =	simm.s32 $0x1;
	s20 =	simm.s32 $0x3E8  }
0x4: {  	s21 =	simm.s32 $0xC350;
	s22 =	simm.s32 $0x14050;
	s23 =	simm.s32 $0x101D0  }
0x5: {  	s28 =	simm.s32 $0x4;
	s29 =	simm.s32 $0x3;
	s12 =	smul.u32 $0xC350, s16  }
0x6: {  	s0 =	sand.u32 $0x1, s0;
	s1 =	sshll.u32 s16, $0x1;
	s16 =	smul.u32 $0x186A0, s16  }
0x7: {  	[smem:$0x7FF] =	sst s3;
	s15 =	sadd.s32 $0x1C4200, s5;
	s14 =	smul.u32 $0x61A8, s0  }
0x8: {  	s1 =	sor.u32 s0, s1;
	s7 =	ssub.s32 $0x2, s0;
	s0 =	smul.u32 $0xC350, s0  }
0x9: {  	s30 =	simm.s32 $0x5;
	_ =	strace $0x80000047;
	s4 =	smul.u32 $0x61A8, s1  }
0xa: {  	s1 =	smul.u32 $0x61A80, s1;
	s8 =	sshrl.u32 s7, $0x1;
	s18 =	sadd.s32 s16, s15  }
0xb: {  	s13 =	ssub.s32 s7, s8;
	s14 =	sadd.s32 s14, s12;
	s4 =	sshrl.u32 s4, $0x3  }
0xc: {  	s1 =	sshrl.u32 s1, $0x3;
	s31 =	sshll.u32 s14, $0x1;
	s13 =	smax.u32 s13, $0x1  }
0xd: {  	s6 =	sadd.s32 s4, s5;
	s4 =	sadd.s32 $0x31400, s5;
	s5 =	sadd.s32 $0x3D800, s5  }
0xe: {  	s25 =	sadd.s32 $0xABE0, s1;
	s10 =	sadd.s32 $0xB3B0, s1;
	s1 =	sadd.s32 $0xBB80, s1  }
0xf: {  	s24 =	sadd.s32 $0x18C00, s6;
	s6 =	sadd.s32 $0x400, s6;
	s26 =	sadd.s32 s15, s25  }
0x10: {  	s8 =	sadd.s32 s5, s25;
	s9 =	sadd.s32 s15, s10;
	s10 =	sadd.s32 s5, s10  }
0x11: {  	s11 =	sadd.s32 s15, s1;
	s12 =	sadd.s32 s5, s1;
	[dreg:$0x3] =	wrdreg s24  }
0x12: {  	s1 =	sadd.s32 $0x7D0, s31;
	s17 =	sadd.s32 s16, s5;
	[dreg:$0x4] =	wrdreg s6  }
0x13: {  	s25 =	simm.s32 $0x17ED0;
	[dreg:$0x5] =	wrdreg s26;
	s14 =	sadd.s32 s1, s15  }
0x14: {  	s15 =	sadd.s32 s1, s5;
	s16 =	sadd.s32 s0, s17;
	s17 =	sadd.s32 s0, s18  }
0x15: {  	s18 =	simm.s32 $0x61A8;
	s26 =	simm.s32 $0x2;
	s0 =	simm.s32 $0x0  }
.LBB2_1:
0x16: {  	s1 =	rddreg [dreg:$0x3]  }
0x17: {  	[tilespmem:s3], [sflag:$0x1] =	stream.linear.gather [hbm4b:s1+s3], $0x61A8, $0x38;
	[tilespmem:$0x1BD50] =	vst v63  }
0x18: {  	s24 =	rddreg [dreg:$0x4]  }
0x19: {  	[tilespmem:s18], [sflag:$0x1] =	stream.linear.gather [hbm4b:s24+s3], $0x61A8, $0x38;
	[tilespmem:$0x1BD50] =	vst v63  }
0x1a: {  	_ =	swait.ge [sflag:s19], $0x61A8  }
0x1b: {  	[sflag:s19] =	ssyncset.done $0x0  }
0x1c: {  	[sflag:s19] =	ssyncadd.s32 $0xFFFF9E58  }
0x1d: {  	_ =	swait.ge [sflag:s19], $0x61A8  }
0x1e: {  	[sflag:s19] =	ssyncset.done $0x0  }
0x1f: {  	[sflag:s19] =	ssyncadd.s32 $0xFFFF9E58  }
0x20: {  	[tilespmem:s21], [sflag:$0x2] =	stream.indirect.gather [hbm4b:s2+s20], $0x10, s3, s20, $0xb8;
	[tilespmem:$0x1BD50] =	vst v63  }
0x21: {  	_ = 	snop  }
0x22: {  	[tilespmem:s22], [sflag:$0x2] =	stream.indirect.gather [hbm4b:s4+s20], $0x10, s18, s20, $0xb8;
	[tilespmem:$0x1BD50] =	vst v63  }
0x23: {  	_ = 	snop  }
0x24: {  	[tilespmem:s23], [sflag:$0x3] =	stream.indirect.gather [hbm4b:s2+s20], $0x10, s20, s20, $0xb8;
	[tilespmem:$0x1BD50] =	vst v63  }
0x25: {  	s5 =	simm.s32 $0x6590  }
0x26: {  	[tilespmem:s25], [sflag:$0x3] =	stream.indirect.gather [hbm4b:s4+s20], $0x10, s5, s20, $0xb8;
	[tilespmem:$0x1BD50] =	vst v63  }
0x27: {  	_ =	swait.ge [sflag:s26], $0x3E80  }
0x28: {  	[sflag:s26] =	ssyncset.done $0x0  }
0x29: {  	[sflag:s26] =	ssyncadd.s32 $0xFFFFC180  }
0x2a: {  	_ =	swait.ge [sflag:s26], $0x3E80  }
0x2b: {  	[sflag:s26] =	ssyncset.done $0x0  }
0x2c: {  	s6 =	sadd.s32 $0x0, s17;
	[sflag:s26] =	ssyncadd.s32 $0xFFFFC180  }
0x2d: {  	[hbm4b:s6+s3] =	stream.linear.scatter [tilespmem:s21], [sflag:$0x4], $0x3E80, $0x38;
	[tilespmem:$0x1BD50] =	vst v63  }
0x2e: {  	s7 =	sadd.s32 $0x0, s16  }
0x2f: {  	[hbm4b:s7+s3] =	stream.linear.scatter [tilespmem:s22], [sflag:$0x4], $0x3E80, $0x38;
	[tilespmem:$0x1BD50] =	vst v63  }
0x30: {  	_ =	swait.ge [sflag:s28], $0x3E80  }
0x31: {  	[sflag:s28] =	ssyncset.done $0x0  }
0x32: {  	[sflag:s28] =	ssyncadd.s32 $0xFFFFC180  }
0x33: {  	_ =	swait.ge [sflag:s28], $0x3E80  }
0x34: {  	[sflag:s28] =	ssyncset.done $0x0  }
0x35: {  	s24 =	simm.s32 $0x7D0;
	[sflag:s28] =	ssyncadd.s32 $0xFFFFC180  }
0x36: {  	[tilespmem:s21], [sflag:$0x2] =	stream.indirect.gather [hbm4b:s2+s20], $0x10, s24, s20, $0xb8;
	[tilespmem:$0x1BD50] =	vst v63  }
0x37: {  	s5 =	simm.s32 $0x6978  }
0x38: {  	[tilespmem:s22], [sflag:$0x2] =	stream.indirect.gather [hbm4b:s4+s20], $0x10, s5, s20, $0xb8;
	[tilespmem:$0x1BD50] =	vst v63  }
0x39: {  	_ =	swait.ge [sflag:s29], $0x3E80  }
0x3a: {  	[sflag:s29] =	ssyncset.done $0x0  }
0x3b: {  	[sflag:s29] =	ssyncadd.s32 $0xFFFFC180  }
0x3c: {  	_ =	swait.ge [sflag:s29], $0x3E80  }
0x3d: {  	[sflag:s29] =	ssyncset.done $0x0  }
0x3e: {  	s6 =	sadd.s32 $0x0, s14;
	[sflag:s29] =	ssyncadd.s32 $0xFFFFC180  }
0x3f: {  	[hbm4b:s6+s3] =	stream.linear.scatter [tilespmem:s23], [sflag:$0x5], $0x3E80, $0x38;
	[tilespmem:$0x1BD50] =	vst v63  }
0x40: {  	s7 =	sadd.s32 $0x0, s15  }
0x41: {  	[hbm4b:s7+s3] =	stream.linear.scatter [tilespmem:s25], [sflag:$0x5], $0x3E80, $0x38;
	[tilespmem:$0x1BD50] =	vst v63  }
0x42: {  	_ =	swait.ge [sflag:s30], $0x3E80  }
0x43: {  	[sflag:s30] =	ssyncset.done $0x0  }
0x44: {  	[sflag:s30] =	ssyncadd.s32 $0xFFFFC180  }
0x45: {  	_ =	swait.ge [sflag:s30], $0x3E80  }
0x46: {  	[sflag:s30] =	ssyncset.done $0x0  }
0x47: {  	s31 =	simm.s32 $0xFA0;
	s24 =	simm.s32 $0xBB8;
	[sflag:s30] =	ssyncadd.s32 $0xFFFFC180  }
0x48: {  	[tilespmem:s23], [sflag:$0x3] =	stream.indirect.gather [hbm4b:s2+s20], $0x10, s24, s20, $0xb8;
	[tilespmem:$0x1BD50] =	vst v63  }
0x49: {  	s1 =	simm.s32 $0x1388;
	s5 =	simm.s32 $0x7530;
	s24 =	simm.s32 $0x6D60  }
.LBB2_2:
0x4a: {  	[tilespmem:s25], [sflag:$0x3] =	stream.indirect.gather [hbm4b:s4+s20], $0x10, s24, s20, $0xb8;
	[tilespmem:$0x1BD50] =	vst v63  }
0x4b: {  	s6 =	smov.u32 s31;
	s24 =	smov.u32 s5  }
0x4c: {  	p0 =	sne.s32 s31, $0x9C40;
	s31 =	sadd.s32 $0xFA0, s31;
	_ =	swait.ge [sflag:s26], $0x3E80  }
0x4d: {  	[sflag:s26] =	ssyncset.done $0x0  }
0x4e: {  	[sflag:s26] =	ssyncadd.s32 $0xFFFFC180  }
0x4f: {  	_ =	swait.ge [sflag:s26], $0x3E80  }
0x50: {  	[sflag:s26] =	ssyncset.done $0x0  }
0x51: {  	s7 =	sadd.s32 s6, s17;
	[sflag:s26] =	ssyncadd.s32 $0xFFFFC180  }
0x52: {  	[hbm4b:s7+s3] =	stream.linear.scatter [tilespmem:s21], [sflag:$0x4], $0x3E80, $0x38;
	[tilespmem:$0x1BD50] =	vst v63  }
0x53: {  	s7 =	sadd.s32 s6, s16  }
0x54: {  	[hbm4b:s7+s3] =	stream.linear.scatter [tilespmem:s22], [sflag:$0x4], $0x3E80, $0x38;
	[tilespmem:$0x1BD50] =	vst v63  }
0x55: {  	_ =	swait.ge [sflag:s28], $0x3E80  }
0x56: {  	[sflag:s28] =	ssyncset.done $0x0  }
0x57: {  	[sflag:s28] =	ssyncadd.s32 $0xFFFFC180  }
0x58: {  	_ =	swait.ge [sflag:s28], $0x3E80  }
0x59: {  	[sflag:s28] =	ssyncset.done $0x0  }
0x5a: {  	s7 =	sadd.s32 $0xFFFFFC18, s1;
	[sflag:s28] =	ssyncadd.s32 $0xFFFFC180  }
0x5b: {  	[tilespmem:s21], [sflag:$0x2] =	stream.indirect.gather [hbm4b:s2+s20], $0x10, s7, s20, $0xb8;
	[tilespmem:$0x1BD50] =	vst v63  }
0x5c: {  	s7 =	sadd.s32 $0xFFFFFC18, s5  }
0x5d: {  	[tilespmem:s22], [sflag:$0x2] =	stream.indirect.gather [hbm4b:s4+s20], $0x10, s7, s20, $0xb8;
	[tilespmem:$0x1BD50] =	vst v63  }
0x5e: {  	_ =	swait.ge [sflag:s29], $0x3E80  }
0x5f: {  	[sflag:s29] =	ssyncset.done $0x0  }
0x60: {  	[sflag:s29] =	ssyncadd.s32 $0xFFFFC180  }
0x61: {  	_ =	swait.ge [sflag:s29], $0x3E80  }
0x62: {  	[sflag:s29] =	ssyncset.done $0x0  }
0x63: {  	s7 =	sadd.s32 s6, s14;
	[sflag:s29] =	ssyncadd.s32 $0xFFFFC180  }
0x64: {  	[hbm4b:s7+s3] =	stream.linear.scatter [tilespmem:s23], [sflag:$0x5], $0x3E80, $0x38;
	[tilespmem:$0x1BD50] =	vst v63  }
0x65: {  	s6 =	sadd.s32 s6, s15  }
0x66: {  	[hbm4b:s6+s3] =	stream.linear.scatter [tilespmem:s25], [sflag:$0x5], $0x3E80, $0x38;
	[tilespmem:$0x1BD50] =	vst v63  }
0x67: {  	_ =	swait.ge [sflag:s30], $0x3E80  }
0x68: {  	[sflag:s30] =	ssyncset.done $0x0  }
0x69: {  	[sflag:s30] =	ssyncadd.s32 $0xFFFFC180  }
.Ltmp0:
0x6a: {  	_ =	swait.ge [sflag:s30], $0x3E80;
	(pc) =	sbr.rel @p0 .LBB2_2-.Ltmp0, $4  }
0x6b: {  	[sflag:s30] =	ssyncset.done $0x0  }
0x6c: {  	[sflag:s30] =	ssyncadd.s32 $0xFFFFC180  }
0x6d: {  	[tilespmem:s23], [sflag:$0x3] =	stream.indirect.gather [hbm4b:s2+s20], $0x10, s1, s20, $0xb8;
	[tilespmem:$0x1BD50] =	vst v63  }
0x6e: {  	s5 =	sadd.s32 $0x7D0, s5;
	s1 =	sadd.s32 $0x7D0, s1  }
0x6f: {  	[tilespmem:s25], [sflag:$0x3] =	stream.indirect.gather [hbm4b:s4+s20], $0x10, s24, s20, $0xb8;
	[tilespmem:$0x1BD50] =	vst v63  }
0x70: {  	_ =	swait.ge [sflag:s26], $0x3E80  }
0x71: {  	[sflag:s26] =	ssyncset.done $0x0  }
0x72: {  	[sflag:s26] =	ssyncadd.s32 $0xFFFFC180  }
0x73: {  	_ =	swait.ge [sflag:s26], $0x3E80  }
0x74: {  	[sflag:s26] =	ssyncset.done $0x0  }
0x75: {  	s1 =	rddreg [dreg:$0x5];
	[sflag:s26] =	ssyncadd.s32 $0xFFFFC180  }
0x76: {  	[hbm4b:s1+s3] =	stream.linear.scatter [tilespmem:s21], [sflag:$0x4], $0x3E80, $0x38;
	[tilespmem:$0x1BD50] =	vst v63  }
0x77: {  	_ = 	snop  }
0x78: {  	[hbm4b:s8+s3] =	stream.linear.scatter [tilespmem:s22], [sflag:$0x4], $0x3E80, $0x38;
	[tilespmem:$0x1BD50] =	vst v63  }
0x79: {  	_ =	swait.ge [sflag:s28], $0x3E80  }
0x7a: {  	[sflag:s28] =	ssyncset.done $0x0  }
0x7b: {  	[sflag:s28] =	ssyncadd.s32 $0xFFFFC180  }
0x7c: {  	_ =	swait.ge [sflag:s28], $0x3E80  }
0x7d: {  	[sflag:s28] =	ssyncset.done $0x0  }
0x7e: {  	s24 =	simm.s32 $0x5DC0;
	[sflag:s28] =	ssyncadd.s32 $0xFFFFC180  }
0x7f: {  	[tilespmem:s21], [sflag:$0x2] =	stream.indirect.gather [hbm4b:s2+s20], $0x10, s24, s20, $0xb8;
	[tilespmem:$0x1BD50] =	vst v63  }
0x80: {  	s31 =	simm.s32 $0xBF68  }
0x81: {  	[tilespmem:s22], [sflag:$0x2] =	stream.indirect.gather [hbm4b:s4+s20], $0x10, s31, s20, $0xb8;
	[tilespmem:$0x1BD50] =	vst v63  }
0x82: {  	_ =	swait.ge [sflag:s29], $0x3E80  }
0x83: {  	[sflag:s29] =	ssyncset.done $0x0  }
0x84: {  	[sflag:s29] =	ssyncadd.s32 $0xFFFFC180  }
0x85: {  	_ =	swait.ge [sflag:s29], $0x3E80  }
0x86: {  	[sflag:s29] =	ssyncset.done $0x0  }
0x87: {  	[sflag:s29] =	ssyncadd.s32 $0xFFFFC180  }
0x88: {  	[hbm4b:s9+s3] =	stream.linear.scatter [tilespmem:s23], [sflag:$0x5], $0x3E80, $0x38;
	[tilespmem:$0x1BD50] =	vst v63  }
0x89: {  	_ = 	snop  }
0x8a: {  	[hbm4b:s10+s3] =	stream.linear.scatter [tilespmem:s25], [sflag:$0x5], $0x3E80, $0x38;
	[tilespmem:$0x1BD50] =	vst v63  }
0x8b: {  	_ =	swait.ge [sflag:s26], $0x3E80  }
0x8c: {  	[sflag:s26] =	ssyncset.done $0x0  }
0x8d: {  	[sflag:s26] =	ssyncadd.s32 $0xFFFFC180  }
0x8e: {  	_ =	swait.ge [sflag:s26], $0x3E80  }
0x8f: {  	[sflag:s26] =	ssyncset.done $0x0  }
0x90: {  	[sflag:s26] =	ssyncadd.s32 $0xFFFFC180  }
0x91: {  	[hbm4b:s11+s3] =	stream.linear.scatter [tilespmem:s21], [sflag:$0x4], $0x3E80, $0x38;
	[tilespmem:$0x1BD50] =	vst v63  }
0x92: {  	_ = 	snop  }
0x93: {  	[hbm4b:s12+s3] =	stream.linear.scatter [tilespmem:s22], [sflag:$0x4], $0x3E80, $0x38;
	[tilespmem:$0x1BD50] =	vst v63  }
0x94: {  	_ =	swait.ge [sflag:s30], $0x3E80  }
0x95: {  	[sflag:s30] =	ssyncset.done $0x0  }
0x96: {  	[sflag:s30] =	ssyncadd.s32 $0xFFFFC180  }
0x97: {  	_ =	swait.ge [sflag:s30], $0x3E80  }
0x98: {  	[sflag:s30] =	ssyncset.done $0x0  }
0x99: {  	s0 =	sadd.s32 $0x1, s0;
	[sflag:s30] =	ssyncadd.s32 $0xFFFFC180  }
0x9a: {  	p0 =	sne.s32 s0, s13;
	_ =	swait.ge [sflag:s28], $0x3E80  }
.Ltmp1:
0x9b: {  	[sflag:s28] =	ssyncset.done $0x0;
	(pc) =	sbr.rel @p0 .LBB2_1-.Ltmp1, $4  }
0x9c: {  	[sflag:s28] =	ssyncadd.s32 $0xFFFFC180  }
0x9d: {  	_ =	swait.ge [sflag:s28], $0x3E80  }
0x9e: {  	[sflag:s28] =	ssyncset.done $0x0  }
0x9f: {  	[sflag:s28] =	ssyncadd.s32 $0xFFFFC180  }
0xa0: {  	_ =	sfence.sel $0x180000  }
0xa1: {  	[bflag:$0x0] =	sbarrier.arrive $0xFFFF  }
0xa2: {  	_ =	strace $0x90000047  }
0xa3: {  	s0 =	stileid.u32;
	[bflag:$0x2] =	sbarrier.arrive $0xFFFF  }
0xa4: {  	p0 =	sne.s32 s0, $0x0;
	s0 =	rddreg [dreg:$0x2]  }
0xa5: {  	s0 =	sadd.s32 @!p0 $0x100000, s0  }
0xa6: {  	[sflag:s0] =	ssyncadd.tile.s32 @!p0 $0x1;
	_ =	shalt  }
.Lfunc_end2:
_tile_overlayer_lowered:
.L_overlay_start_2:
0xa7: {  	(tag) =	ssettag $0x2  }
0xa8: {  	s0 =	rddreg [dreg:$0x0];
	s2 =	stileid.u32  }
0xa9: {  	s1 =	rddreg [dreg:$0x1];
	p0 =	sne.s32 s2, $0x0  }
0xaa: {  	s3 =	rddreg [dreg:$0x2];
	[bflag:$0x3] =	sbarrier.arrive $0xFFFF;
	s2 =	simm.s32 @!p0 $0x1C06  }
0xab: {  	[timem:s3], [sflag:s2] =	dma.local @!p0 [hbm:s0], s1  }
0xac: {  	s0 =	simm.s32 @!p0 $0x6  }
0xad: {  	_ =	swait.ge @!p0 [sflag:s0], s1  }
0xae: {  	s1 =	ssub.s32 @!p0 $0x0, s1;
	[sflag:s0] =	ssyncset.done @!p0 $0x0  }
0xaf: {  	[sflag:s0] =	ssyncadd.s32 @!p0 s1  }
0xb0: {  	[bflag:$0x3] =	sbarrier.arrive $0xFFFF  }
0xb1: {  	_ =	shalt  }

</sc_bundles>
